<compile_context>
chip_gen: v7x
topology: tpu7x:2x2x1
jax: 0.10.2.dev20260603
libtpu: 0.0.44.dev20260713+nightly
codegen_flags: <defaults>
</compile_context>

<pallas_src>
import functools

import jax
import jax.numpy as jnp
import numpy as np
from jax import lax
from jax.experimental import pallas as pl
from jax.experimental.pallas import tpu as pltpu
from jax.experimental.pallas import tpu_sc as plsc


def _sph2(pts):
    n = pts / jnp.linalg.norm(pts, axis=-1, keepdims=True)
    x, y, z = n[..., 0], n[..., 1], n[..., 2]
    s15 = 15.0 ** 0.5
    s5 = 5.0 ** 0.5
    sh = jnp.stack([
        s15 * x * z,
        s15 * x * y,
        s5 * (y ** 2 - 0.5 * (x ** 2 + z ** 2)),
        s15 * y * z,
        (s15 / 2.0) * (z ** 2 - x ** 2),
    ], axis=-1)
    return sh / (4.0 * np.pi) ** 0.5


def _mlp_body(A, S, NC,
              x_ref, wt_ref, bcat_ref, mall_ref,
              w2s_ref, w2i_ref, brow_ref, p_ref):
    R = A * S
    CK = R // NC
    t = jnp.zeros((12 * A, 256), jnp.float32)
    for c in range(NC):
        xc = x_ref[c * CK:(c + 1) * CK, :]
        h2 = lax.dot_general(xc.astype(jnp.bfloat16), wt_ref[...],
                             (((1,), (0,)), ((), ())),
                             preferred_element_type=jnp.float32)
        z = h2[:, 0:256] + h2[:, 256:512] + bcat_ref[...]
        z = (z * jax.nn.sigmoid(z)).astype(jnp.bfloat16)
        t = t + lax.dot_general(mall_ref[:, c * CK:(c + 1) * CK], z,
                                (((1,), (0,)), ((), ())),
                                preferred_element_type=jnp.float32)
    t = t[0:6 * A] + t[6 * A:12 * A]

    c_s = jnp.sum(t[0:A] * w2s_ref[...], axis=1, keepdims=True)
    c_i = jnp.sum(t[A:6 * A] * w2i_ref[...], axis=1, keepdims=True)
    cols = [c_s] + [c_i[k * A:(k + 1) * A, :] for k in range(5)]
    cols.append(jnp.zeros((A, 122), jnp.float32))
    p_ref[...] = jnp.concatenate(cols, axis=1) + brow_ref[...]


def _mlp_fold(x_pointwise, sph, W1s, b1s, W2s, b2s, W1i, b1i, W2i, b2i, A):
    N, S, D = x_pointwise.shape
    R = A * S
    nblk = N // A

    xf = x_pointwise.reshape(N * S, D)
    wt_f = jnp.concatenate([W1s.T, W1i.T], axis=1)
    wt_hi = wt_f.astype(jnp.bfloat16)
    wt_lo = (wt_f - wt_hi.astype(jnp.float32)).astype(jnp.bfloat16)
    wt = jnp.concatenate([wt_hi, wt_lo], axis=1)
    bcat = jnp.concatenate([b1s, b1i]).reshape(1, 2 * D)

    base = jnp.concatenate([jnp.full((1, S), 1.0 / S, jnp.float32),
                            sph.T / S], axis=0)
    eye_a = jnp.eye(A, dtype=jnp.float32)
    mall_f = jnp.concatenate(
        [jnp.kron(eye_a, base[k:k + 1, :]) for k in range(6)],
        axis=0)
    mall_hi = mall_f.astype(jnp.bfloat16)
    mall_lo = (mall_f - mall_hi.astype(jnp.float32)).astype(jnp.bfloat16)
    mall = jnp.concatenate([mall_hi, mall_lo], axis=0)

    zd = jnp.zeros((D,), jnp.float32)
    w2srow = jnp.concatenate([W2s.reshape(D), zd]).reshape(1, 2 * D)
    w2irow = jnp.concatenate([zd, W2i.reshape(D)]).reshape(1, 2 * D)

    msph = jnp.mean(sph, axis=0)
    brow = jnp.zeros((128,), jnp.float32)
    brow = brow.at[0].set(b2s[0])
    brow = brow.at[1:6].set(b2i[0] * msph)
    brow = brow.at[6].set(1.0)
    brow = brow.reshape(1, 128)

    p = pl.pallas_call(
        functools.partial(_mlp_body, A, S, 8),
        grid=(nblk,),
        in_specs=[
            pl.BlockSpec((R, D), lambda i: (i, 0)),
            pl.BlockSpec((D, 4 * D), lambda i: (0, 0)),
            pl.BlockSpec((1, 2 * D), lambda i: (0, 0)),
            pl.BlockSpec((12 * A, R), lambda i: (0, 0)),
            pl.BlockSpec((1, 2 * D), lambda i: (0, 0)),
            pl.BlockSpec((1, 2 * D), lambda i: (0, 0)),
            pl.BlockSpec((1, 128), lambda i: (0, 0)),
        ],
        out_specs=pl.BlockSpec((A, 128), lambda i: (i, 0)),
        out_shape=jax.ShapeDtypeStruct((N, 128), jnp.float32),
        compiler_params=pltpu.CompilerParams(
            dimension_semantics=("arbitrary",),
        ),
    )(xf, wt, bcat, mall, w2srow, w2irow, brow)
    return p


def _segment_mean(p, batch_t, G):
    N = p.shape[0]
    NSUB = 16
    CH = N // NSUB
    NROW = CH // 128
    GP = G // NSUB

    mesh = plsc.VectorSubcoreMesh(core_axis_name="c", subcore_axis_name="s")
    zeros128 = jnp.zeros((G, 128), jnp.float32)

    @functools.partial(
        pl.kernel, mesh=mesh,
        out_type=jax.ShapeDtypeStruct((G, 128), jnp.float32),
        scratch_types=[
            pltpu.VMEM((NROW, 128), jnp.int32),
            pltpu.VMEM((CH, 128), jnp.float32),
            pltpu.VMEM((GP, 128), jnp.float32),
            pltpu.VMEM_SHARED((G, 128), jnp.float32),
        ],
    )
    def seg_kernel(p_hbm, bt_hbm, z_hbm, out_hbm, idx_v, rows_v, fin_v, acc_sh):
        c = lax.axis_index("c")
        s = lax.axis_index("s")
        on0 = c == 0

        @pl.when(on0)
        def _():
            pltpu.sync_copy(z_hbm.at[pl.ds(s * GP, GP)],
                            acc_sh.at[pl.ds(s * GP, GP)])

        plsc.subcore_barrier()

        @pl.when(on0)
        def _():
            pltpu.sync_copy(bt_hbm.at[pl.ds(s * NROW, NROW)], idx_v)
            pltpu.sync_copy(p_hbm.at[pl.ds(s * CH, CH)], rows_v)
            for q in range(NROW):
                pltpu.sync_copy(rows_v.at[pl.ds(q * 128, 128)],
                                acc_sh.at[idx_v.at[q]], add=True)

        plsc.subcore_barrier()

        @pl.when(on0)
        def _():
            pltpu.sync_copy(acc_sh.at[pl.ds(s * GP, GP)], fin_v)
            lane6 = jnp.full((16, 1), 6, jnp.int32)
            dnums = lax.GatherDimensionNumbers(
                offset_dims=(), collapsed_slice_dims=(0,),
                start_index_map=(0,))
            for r in range(GP):
                v = fin_v[r, 0:16]
                cnt = lax.gather(v, lane6, dnums, (1,),
                                 mode=lax.GatherScatterMode.PROMISE_IN_BOUNDS)
                fin_v[r, 0:16] = v / jnp.maximum(cnt, 1.0)
            pltpu.sync_copy(fin_v, out_hbm.at[pl.ds(s * GP, GP)])

    return seg_kernel(p, batch_t, zeros128)


def kernel(x_pointwise, sphere_points, batch, natoms,
           W1s, b1s, W2s, b2s, W1i, b1i, W2i, b2i):
    N, S, D = x_pointwise.shape
    G = natoms.shape[0]
    A = 32

    sph = _sph2(sphere_points)
    p = _mlp_fold(x_pointwise, sph,
                  W1s, b1s, W2s, b2s, W1i, b1i, W2i, b2i, A)
    batch_t = batch.astype(jnp.int32).reshape(N // 128, 128)

    acc = _segment_mean(p, batch_t, G)
    return acc[:, 0], acc[:, 1:6]

# --- scband reference (transcript-rebuilt; emitter-appended) ---
"""Pipeline reference for scband-rank2-decomposition-block-15006615734321 (READ-ONLY COPY).

The authoritative reference and input builder live on the scoring server;
editing this copy changes nothing except your own understanding.
"""

import jax, jax.numpy as jnp
import numpy as np


def _sh2(pts):
    # e3nn o3.spherical_harmonics(2, pts, normalize=True, normalization='integral')
    n = pts / jnp.linalg.norm(pts, axis=-1, keepdims=True)
    x, y, z = n[..., 0], n[..., 1], n[..., 2]
    s15 = 15.0 ** 0.5
    s5 = 5.0 ** 0.5
    sh = jnp.stack([
        s15 * x * z,
        s15 * x * y,
        s5 * (y ** 2 - 0.5 * (x ** 2 + z ** 2)),
        s15 * y * z,
        (s15 / 2.0) * (z ** 2 - x ** 2),
    ], axis=-1)
    return sh / (4.0 * np.pi) ** 0.5


def setup_inputs(seed: int = 0) -> dict:
    key = jax.random.key(seed)
    ks = jax.random.split(key, 14)
    N, S, D, G = 4096, 128, 128, 128
    x_pointwise = jax.random.normal(ks[0], (N, S, D), dtype=jnp.float32)
    sphere_points = jax.random.normal(ks[1], (S, 3), dtype=jnp.float32)
    batch = jnp.sort(jax.random.randint(ks[2], (N,), 0, G, dtype=jnp.int64))
    natoms = jax.random.randint(ks[3], (G,), 0, 64, dtype=jnp.int64)
    lim = (1.0 / D) ** 0.5
    W1s = jax.random.uniform(ks[4], (D, D), minval=-lim, maxval=lim, dtype=jnp.float32)
    b1s = jax.random.uniform(ks[5], (D,), minval=-lim, maxval=lim, dtype=jnp.float32)
    W2s = jax.random.uniform(ks[6], (1, D), minval=-lim, maxval=lim, dtype=jnp.float32)
    b2s = jax.random.uniform(ks[7], (1,), minval=-lim, maxval=lim, dtype=jnp.float32)
    W1i = jax.random.uniform(ks[8], (D, D), minval=-lim, maxval=lim, dtype=jnp.float32)
    b1i = jax.random.uniform(ks[9], (D,), minval=-lim, maxval=lim, dtype=jnp.float32)
    W2i = jax.random.uniform(ks[10], (1, D), minval=-lim, maxval=lim, dtype=jnp.float32)
    b2i = jax.random.uniform(ks[11], (1,), minval=-lim, maxval=lim, dtype=jnp.float32)
    return {"x_pointwise": x_pointwise, "sphere_points": sphere_points, "batch": batch,
            "natoms": natoms, "W1s": W1s, "b1s": b1s, "W2s": W2s, "b2s": b2s,
            "W1i": W1i, "b1i": b1i, "W2i": W2i, "b2i": b2i}


def reference(x_pointwise, sphere_points, batch, natoms, W1s, b1s, W2s, b2s, W1i, b1i, W2i, b2i):
    S = x_pointwise.shape[1]
    G = natoms.shape[0]
    sph = _sh2(sphere_points)  # [S, 5] (detached in original)

    # scalar branch MLP: Linear(D,D) -> SiLU -> Linear(D,1)
    h = jax.nn.silu(x_pointwise @ W1s.T + b1s)
    node_scalar = h @ W2s.T + b2s  # [N, S, 1]
    node_scalar = node_scalar.reshape(-1, S, 1)
    node_scalar = jnp.sum(node_scalar, axis=1) / S  # [N, 1]

    ones = jnp.ones((node_scalar.shape[0],), dtype=jnp.float32)
    counts = jax.ops.segment_sum(ones, batch, num_segments=G)
    counts = jnp.maximum(counts, 1.0)

    # non-extensive -> scatter mean
    scalar = jax.ops.segment_sum(node_scalar.reshape(-1), batch, num_segments=G) / counts  # [G]

    # irrep2 branch MLP
    h2 = jax.nn.silu(x_pointwise @ W1i.T + b1i)
    node_irrep2 = h2 @ W2i.T + b2i  # [N, S, 1]
    node_irrep2 = node_irrep2 * sph.reshape(1, S, 5)  # [N, S, 5]
    node_irrep2 = jnp.sum(node_irrep2, axis=1) / S  # [N, 5]
    irrep2 = jax.ops.segment_sum(node_irrep2.reshape(-1, 5), batch, num_segments=G) / counts[:, None]  # [G, 5]

    return (scalar.reshape(-1), irrep2)

if __name__ == "__main__":
    import jax
    _d = setup_inputs()
    print(jax.jit(kernel)(*tuple(_d.values())))

</pallas_src>

<mosaic_0001>
#map = affine_map<(d0, d1) -> (0, 0)>
module attributes {stable_mosaic.version = 14 : i64} {
  func.func @seg_kernel(%arg0: i32, %arg1: i32, %arg2: memref<4096x128xf32, #tpu.memory_space<hbm>>, %arg3: memref<32x128xi32, #tpu.memory_space<hbm>>, %arg4: memref<128x128xf32, #tpu.memory_space<hbm>>, %arg5: memref<128x128xf32, #tpu.memory_space<hbm>>, %arg6: memref<2x128xi32, #tpu.memory_space<vmem>>, %arg7: memref<256x128xf32, #tpu.memory_space<vmem>>, %arg8: memref<8x128xf32, #tpu.memory_space<vmem>>, %arg9: memref<128x128xf32, #tpu.memory_space<vmem_shared>>) attributes {dimension_semantics = [#tpu.dimension_semantics<core_parallel>, #tpu.dimension_semantics<subcore_parallel>], iteration_bounds = array<i64: 2, 16>, scalar_prefetch = 0 : i64, scratch_operands = 4 : i64, tpu.core_type = #tpu.core_type<sc_vector_subcore>, window_params = [{transform_indices = #map}, {transform_indices = #map}, {transform_indices = #map}, {transform_indices = #map}]} {
    %eq3A = arith.constant 0 : i32
    %eq3A_0 = arith.cmpi eq, %arg0, %eq3A : i32
    %convert_element_type3A = arith.extui %eq3A_0 : i1 to i32
    %cond3A = arith.constant 0 : i32
    %cond3A_1 = arith.cmpi ne, %convert_element_type3A, %cond3A : i32
    scf.if %cond3A_1 {
      %mul3A = arith.constant 8 : i32
      %mul3A_9 = arith.muli %arg1, %mul3A : i32
      %mul3A_10 = arith.constant 8 : i32
      %mul3A_11 = arith.muli %arg1, %mul3A_10 : i32
      "tpu.region"() ({
        %run_scoped3A = tpu.sem_alloc : memref<!tpu.dma_semaphore, #tpu.memory_space<semaphore_mem>>
        %dma_start3A = arith.constant 0 : i32
        %dma_start3A_12 = tpu.memref_slice %arg9[%mul3A_11, %dma_start3A] : memref<128x128xf32, #tpu.memory_space<vmem_shared>> -> memref<8x128xf32, #tpu.memory_space<vmem_shared>>
        %dma_start3A_13 = arith.constant 0 : i32
        %dma_start3A_14 = tpu.memref_slice %arg4[%mul3A_9, %dma_start3A_13] : memref<128x128xf32, #tpu.memory_space<hbm>> -> memref<8x128xf32, #tpu.memory_space<hbm>>
        tpu.enqueue_dma source(%dma_start3A_14 : memref<8x128xf32, #tpu.memory_space<hbm>>) target(%dma_start3A_12 : memref<8x128xf32, #tpu.memory_space<vmem_shared>>) target_semaphore(%run_scoped3A : memref<!tpu.dma_semaphore, #tpu.memory_space<semaphore_mem>>)
        %dma_wait3A = arith.constant 0 : i32
        %dma_wait3A_15 = tpu.memref_slice %arg9[%mul3A_11, %dma_wait3A] : memref<128x128xf32, #tpu.memory_space<vmem_shared>> -> memref<8x128xf32, #tpu.memory_space<vmem_shared>>
        %dma_wait3A_16 = arith.constant 0 : i32
        %dma_wait3A_17 = tpu.memref_slice %arg4[%mul3A_9, %dma_wait3A_16] : memref<128x128xf32, #tpu.memory_space<hbm>> -> memref<8x128xf32, #tpu.memory_space<hbm>>
        tpu.wait_dma2 semaphore(%run_scoped3A : memref<!tpu.dma_semaphore, #tpu.memory_space<semaphore_mem>>) src(%dma_wait3A_17 : memref<8x128xf32, #tpu.memory_space<hbm>>) dst(%dma_wait3A_15 : memref<8x128xf32, #tpu.memory_space<vmem_shared>>)
        tpu.yield
      }) : () -> ()
    } else {
    }
    %barrier3A = arith.constant 0 : index
    tpu.barrier barrier_id(%barrier3A)
    %convert_element_type3A_2 = arith.extui %eq3A_0 : i1 to i32
    %cond3A_3 = arith.constant 0 : i32
    %cond3A_4 = arith.cmpi ne, %convert_element_type3A_2, %cond3A_3 : i32
    scf.if %cond3A_4 {
      %mul3A = arith.constant 2 : i32
      %mul3A_9 = arith.muli %arg1, %mul3A : i32
      "tpu.region"() ({
        %run_scoped3A_13 = tpu.sem_alloc : memref<!tpu.dma_semaphore, #tpu.memory_space<semaphore_mem>>
        %dma_start3A = arith.constant 0 : i32
        %dma_start3A_14 = tpu.memref_slice %arg3[%mul3A_9, %dma_start3A] : memref<32x128xi32, #tpu.memory_space<hbm>> -> memref<2x128xi32, #tpu.memory_space<hbm>>
        %dma_start3A_15 = arith.constant 0 : i32
        %dma_start3A_16 = tpu.memref_slice %arg3[%mul3A_9, %dma_start3A_15] : memref<32x128xi32, #tpu.memory_space<hbm>> -> memref<2x128xi32, #tpu.memory_space<hbm>>
        tpu.enqueue_dma source(%dma_start3A_16 : memref<2x128xi32, #tpu.memory_space<hbm>>) target(%arg6 : memref<2x128xi32, #tpu.memory_space<vmem>>) target_semaphore(%run_scoped3A_13 : memref<!tpu.dma_semaphore, #tpu.memory_space<semaphore_mem>>)
        %dma_wait3A = arith.constant 0 : i32
        %dma_wait3A_17 = tpu.memref_slice %arg3[%mul3A_9, %dma_wait3A] : memref<32x128xi32, #tpu.memory_space<hbm>> -> memref<2x128xi32, #tpu.memory_space<hbm>>
        %dma_wait3A_18 = arith.constant 0 : i32
        %dma_wait3A_19 = tpu.memref_slice %arg3[%mul3A_9, %dma_wait3A_18] : memref<32x128xi32, #tpu.memory_space<hbm>> -> memref<2x128xi32, #tpu.memory_space<hbm>>
        tpu.wait_dma2 semaphore(%run_scoped3A_13 : memref<!tpu.dma_semaphore, #tpu.memory_space<semaphore_mem>>) src(%dma_wait3A_19 : memref<2x128xi32, #tpu.memory_space<hbm>>) dst(%arg6 : memref<2x128xi32, #tpu.memory_space<vmem>>)
        tpu.yield
      }) : () -> ()
      %mul3A_10 = arith.constant 256 : i32
      %mul3A_11 = arith.muli %arg1, %mul3A_10 : i32
      "tpu.region"() ({
        %run_scoped3A_13 = tpu.sem_alloc : memref<!tpu.dma_semaphore, #tpu.memory_space<semaphore_mem>>
        %dma_start3A = arith.constant 0 : i32
        %dma_start3A_14 = tpu.memref_slice %arg2[%mul3A_11, %dma_start3A] : memref<4096x128xf32, #tpu.memory_space<hbm>> -> memref<256x128xf32, #tpu.memory_space<hbm>>
        %dma_start3A_15 = arith.constant 0 : i32
        %dma_start3A_16 = tpu.memref_slice %arg2[%mul3A_11, %dma_start3A_15] : memref<4096x128xf32, #tpu.memory_space<hbm>> -> memref<256x128xf32, #tpu.memory_space<hbm>>
        tpu.enqueue_dma source(%dma_start3A_16 : memref<256x128xf32, #tpu.memory_space<hbm>>) target(%arg7 : memref<256x128xf32, #tpu.memory_space<vmem>>) target_semaphore(%run_scoped3A_13 : memref<!tpu.dma_semaphore, #tpu.memory_space<semaphore_mem>>)
        %dma_wait3A = arith.constant 0 : i32
        %dma_wait3A_17 = tpu.memref_slice %arg2[%mul3A_11, %dma_wait3A] : memref<4096x128xf32, #tpu.memory_space<hbm>> -> memref<256x128xf32, #tpu.memory_space<hbm>>
        %dma_wait3A_18 = arith.constant 0 : i32
        %dma_wait3A_19 = tpu.memref_slice %arg2[%mul3A_11, %dma_wait3A_18] : memref<4096x128xf32, #tpu.memory_space<hbm>> -> memref<256x128xf32, #tpu.memory_space<hbm>>
        tpu.wait_dma2 semaphore(%run_scoped3A_13 : memref<!tpu.dma_semaphore, #tpu.memory_space<semaphore_mem>>) src(%dma_wait3A_19 : memref<256x128xf32, #tpu.memory_space<hbm>>) dst(%arg7 : memref<256x128xf32, #tpu.memory_space<vmem>>)
        tpu.yield
      }) : () -> ()
      %run_scoped3A = arith.constant 0 : i32
      "tpu.region"() ({
        %run_scoped3A_13 = tpu.sem_alloc : memref<!tpu.dma_semaphore, #tpu.memory_space<semaphore_mem>>
        %dma_start3A = arith.constant 0 : i32
        %dma_start3A_14 = arith.constant 0 : i32
        %dma_start3A_15 = tpu.memref_slice %arg7[%dma_start3A, %dma_start3A_14] : memref<256x128xf32, #tpu.memory_space<vmem>> -> memref<128x128xf32, #tpu.memory_space<vmem>>
        %dma_start3A_16 = arith.constant 0 : i32
        %dma_start3A_17 = tpu.memref_slice %arg6[%run_scoped3A, %dma_start3A_16] : memref<2x128xi32, #tpu.memory_space<vmem>> -> memref<1x128xi32, #tpu.memory_space<vmem>>
        %dma_start3A_18 = tpu.memref_squeeze %dma_start3A_17 : memref<1x128xi32, #tpu.memory_space<vmem>> -> memref<128xi32, #tpu.memory_space<vmem>>
        %dma_start3A_19 = arith.constant 0 : i32
        %dma_start3A_20 = arith.constant 0 : i32
        %dma_start3A_21 = tpu.memref_slice %arg9[%dma_start3A_19, %dma_start3A_20] : memref<128x128xf32, #tpu.memory_space<vmem_shared>> -> memref<128x128xf32, #tpu.memory_space<vmem_shared>>
        tpu.enqueue_indirect_dma source(%dma_start3A_15 : memref<128x128xf32, #tpu.memory_space<vmem>>) target(%dma_start3A_21 : memref<128x128xf32, #tpu.memory_space<vmem_shared>>) offsets(%dma_start3A_18 : memref<128xi32, #tpu.memory_space<vmem>>) semaphore(%run_scoped3A_13 : memref<!tpu.dma_semaphore, #tpu.memory_space<semaphore_mem>>) {add = true}
        %dma_wait3A = arith.constant 0 : i32
        %dma_wait3A_22 = arith.constant 0 : i32
        %dma_wait3A_23 = tpu.memref_slice %arg7[%dma_wait3A, %dma_wait3A_22] : memref<256x128xf32, #tpu.memory_space<vmem>> -> memref<128x128xf32, #tpu.memory_space<vmem>>
        %dma_wait3A_24 = arith.constant 0 : i32
        %dma_wait3A_25 = tpu.memref_slice %arg6[%run_scoped3A, %dma_wait3A_24] : memref<2x128xi32, #tpu.memory_space<vmem>> -> memref<1x128xi32, #tpu.memory_space<vmem>>
        %dma_wait3A_26 = tpu.memref_squeeze %dma_wait3A_25 : memref<1x128xi32, #tpu.memory_space<vmem>> -> memref<128xi32, #tpu.memory_space<vmem>>
        %dma_wait3A_27 = arith.constant 0 : i32
        %dma_wait3A_28 = arith.constant 0 : i32
        %dma_wait3A_29 = tpu.memref_slice %arg9[%dma_wait3A_27, %dma_wait3A_28] : memref<128x128xf32, #tpu.memory_space<vmem_shared>> -> memref<128x128xf32, #tpu.memory_space<vmem_shared>>
        tpu.wait_indirect_dma semaphore(%run_scoped3A_13 : memref<!tpu.dma_semaphore, #tpu.memory_space<semaphore_mem>>) src(%dma_wait3A_23 : memref<128x128xf32, #tpu.memory_space<vmem>>) dst(%dma_wait3A_29 : memref<128x128xf32, #tpu.memory_space<vmem_shared>>)
        tpu.yield
      }) : () -> ()
      %run_scoped3A_12 = arith.constant 1 : i32
      "tpu.region"() ({
        %run_scoped3A_13 = tpu.sem_alloc : memref<!tpu.dma_semaphore, #tpu.memory_space<semaphore_mem>>
        %dma_start3A = arith.constant 128 : i32
        %dma_start3A_14 = arith.constant 0 : i32
        %dma_start3A_15 = tpu.memref_slice %arg7[%dma_start3A, %dma_start3A_14] : memref<256x128xf32, #tpu.memory_space<vmem>> -> memref<128x128xf32, #tpu.memory_space<vmem>>
        %dma_start3A_16 = arith.constant 0 : i32
        %dma_start3A_17 = tpu.memref_slice %arg6[%run_scoped3A_12, %dma_start3A_16] : memref<2x128xi32, #tpu.memory_space<vmem>> -> memref<1x128xi32, #tpu.memory_space<vmem>>
        %dma_start3A_18 = tpu.memref_squeeze %dma_start3A_17 : memref<1x128xi32, #tpu.memory_space<vmem>> -> memref<128xi32, #tpu.memory_space<vmem>>
        %dma_start3A_19 = arith.constant 0 : i32
        %dma_start3A_20 = arith.constant 0 : i32
        %dma_start3A_21 = tpu.memref_slice %arg9[%dma_start3A_19, %dma_start3A_20] : memref<128x128xf32, #tpu.memory_space<vmem_shared>> -> memref<128x128xf32, #tpu.memory_space<vmem_shared>>
        tpu.enqueue_indirect_dma source(%dma_start3A_15 : memref<128x128xf32, #tpu.memory_space<vmem>>) target(%dma_start3A_21 : memref<128x128xf32, #tpu.memory_space<vmem_shared>>) offsets(%dma_start3A_18 : memref<128xi32, #tpu.memory_space<vmem>>) semaphore(%run_scoped3A_13 : memref<!tpu.dma_semaphore, #tpu.memory_space<semaphore_mem>>) {add = true}
        %dma_wait3A = arith.constant 128 : i32
        %dma_wait3A_22 = arith.constant 0 : i32
        %dma_wait3A_23 = tpu.memref_slice %arg7[%dma_wait3A, %dma_wait3A_22] : memref<256x128xf32, #tpu.memory_space<vmem>> -> memref<128x128xf32, #tpu.memory_space<vmem>>
        %dma_wait3A_24 = arith.constant 0 : i32
        %dma_wait3A_25 = tpu.memref_slice %arg6[%run_scoped3A_12, %dma_wait3A_24] : memref<2x128xi32, #tpu.memory_space<vmem>> -> memref<1x128xi32, #tpu.memory_space<vmem>>
        %dma_wait3A_26 = tpu.memref_squeeze %dma_wait3A_25 : memref<1x128xi32, #tpu.memory_space<vmem>> -> memref<128xi32, #tpu.memory_space<vmem>>
        %dma_wait3A_27 = arith.constant 0 : i32
        %dma_wait3A_28 = arith.constant 0 : i32
        %dma_wait3A_29 = tpu.memref_slice %arg9[%dma_wait3A_27, %dma_wait3A_28] : memref<128x128xf32, #tpu.memory_space<vmem_shared>> -> memref<128x128xf32, #tpu.memory_space<vmem_shared>>
        tpu.wait_indirect_dma semaphore(%run_scoped3A_13 : memref<!tpu.dma_semaphore, #tpu.memory_space<semaphore_mem>>) src(%dma_wait3A_23 : memref<128x128xf32, #tpu.memory_space<vmem>>) dst(%dma_wait3A_29 : memref<128x128xf32, #tpu.memory_space<vmem_shared>>)
        tpu.yield
      }) : () -> ()
    } else {
    }
    %barrier3A_5 = arith.constant 0 : index
    tpu.barrier barrier_id(%barrier3A_5)
    %convert_element_type3A_6 = arith.extui %eq3A_0 : i1 to i32
    %cond3A_7 = arith.constant 0 : i32
    %cond3A_8 = arith.cmpi ne, %convert_element_type3A_6, %cond3A_7 : i32
    scf.if %cond3A_8 {
      %mul3A = arith.constant 8 : i32
      %mul3A_9 = arith.muli %arg1, %mul3A : i32
      "tpu.region"() ({
        %run_scoped3A = tpu.sem_alloc : memref<!tpu.dma_semaphore, #tpu.memory_space<semaphore_mem>>
        %dma_start3A = arith.constant 0 : i32
        %dma_start3A_144 = tpu.memref_slice %arg9[%mul3A_9, %dma_start3A] : memref<128x128xf32, #tpu.memory_space<vmem_shared>> -> memref<8x128xf32, #tpu.memory_space<vmem_shared>>
        %dma_start3A_145 = arith.constant 0 : i32
        %dma_start3A_146 = tpu.memref_slice %arg9[%mul3A_9, %dma_start3A_145] : memref<128x128xf32, #tpu.memory_space<vmem_shared>> -> memref<8x128xf32, #tpu.memory_space<vmem_shared>>
        tpu.enqueue_dma source(%dma_start3A_146 : memref<8x128xf32, #tpu.memory_space<vmem_shared>>) target(%arg8 : memref<8x128xf32, #tpu.memory_space<vmem>>) target_semaphore(%run_scoped3A : memref<!tpu.dma_semaphore, #tpu.memory_space<semaphore_mem>>)
        %dma_wait3A = arith.constant 0 : i32
        %dma_wait3A_147 = tpu.memref_slice %arg9[%mul3A_9, %dma_wait3A] : memref<128x128xf32, #tpu.memory_space<vmem_shared>> -> memref<8x128xf32, #tpu.memory_space<vmem_shared>>
        %dma_wait3A_148 = arith.constant 0 : i32
        %dma_wait3A_149 = tpu.memref_slice %arg9[%mul3A_9, %dma_wait3A_148] : memref<128x128xf32, #tpu.memory_space<vmem_shared>> -> memref<8x128xf32, #tpu.memory_space<vmem_shared>>
        tpu.wait_dma2 semaphore(%run_scoped3A : memref<!tpu.dma_semaphore, #tpu.memory_space<semaphore_mem>>) src(%dma_wait3A_149 : memref<8x128xf32, #tpu.memory_space<vmem_shared>>) dst(%arg8 : memref<8x128xf32, #tpu.memory_space<vmem>>)
        tpu.yield
      }) : () -> ()
      %broadcast_in_dim3A = arith.constant 6 : i32
      %broadcast_in_dim3A_10 = vector.broadcast %broadcast_in_dim3A : i32 to vector<16x1xi32>
      %get3A = arith.constant 0 : i32
      %get3A_11 = arith.index_cast %get3A : i32 to index
      %get3A_12 = arith.constant 0 : index
      %get3A_13 = tpu.vector_load %arg8[%get3A_11, %get3A_12] {strides = array<i32>} : memref<8x128xf32, #tpu.memory_space<vmem>>, vector<1x16xf32>,
      %get3A_14 = vector.shape_cast %get3A_13 : vector<1x16xf32> to vector<16xf32>
      %gather3A = vector.shape_cast %broadcast_in_dim3A_10 : vector<16x1xi32> to vector<16xi32>
      %gather3A_15 = tpu.dynamic_gather %get3A_14[%gather3A] in [0] : vector<16xf32>, vector<16xi32> -> vector<16xf32>
      %max3A = arith.constant 1.000000e+00 : f32
      %max3A_16 = vector.broadcast %max3A : f32 to vector<16xf32>
      %max3A_17 = arith.maximumf %gather3A_15, %max3A_16 : vector<16xf32>
      %div3A = arith.divf %get3A_14, %max3A_17 : vector<16xf32>
      %swap3A = arith.constant 0 : i32
      %swap3A_18 = arith.index_cast %swap3A : i32 to index
      %swap3A_19 = arith.constant 0 : index
      %swap3A_20 = tpu.vector_load %arg8[%swap3A_18, %swap3A_19] {strides = array<i32>} : memref<8x128xf32, #tpu.memory_space<vmem>>, vector<1x16xf32>,
      %swap3A_21 = vector.shape_cast %swap3A_20 : vector<1x16xf32> to vector<16xf32>
      %swap3A_22 = vector.shape_cast %div3A : vector<16xf32> to vector<1x16xf32>
      tpu.vector_store %arg8[%swap3A_18, %swap3A_19], %swap3A_22 {strides = array<i32>} : memref<8x128xf32, #tpu.memory_space<vmem>>, vector<1x16xf32>,
      %get3A_23 = arith.constant 1 : i32
      %get3A_24 = arith.index_cast %get3A_23 : i32 to index
      %get3A_25 = arith.constant 0 : index
      %get3A_26 = tpu.vector_load %arg8[%get3A_24, %get3A_25] {strides = array<i32>} : memref<8x128xf32, #tpu.memory_space<vmem>>, vector<1x16xf32>,
      %get3A_27 = vector.shape_cast %get3A_26 : vector<1x16xf32> to vector<16xf32>
      %gather3A_28 = vector.shape_cast %broadcast_in_dim3A_10 : vector<16x1xi32> to vector<16xi32>
      %gather3A_29 = tpu.dynamic_gather %get3A_27[%gather3A_28] in [0] : vector<16xf32>, vector<16xi32> -> vector<16xf32>
      %max3A_30 = arith.constant 1.000000e+00 : f32
      %max3A_31 = vector.broadcast %max3A_30 : f32 to vector<16xf32>
      %max3A_32 = arith.maximumf %gather3A_29, %max3A_31 : vector<16xf32>
      %div3A_33 = arith.divf %get3A_27, %max3A_32 : vector<16xf32>
      %swap3A_34 = arith.constant 1 : i32
      %swap3A_35 = arith.index_cast %swap3A_34 : i32 to index
      %swap3A_36 = arith.constant 0 : index
      %swap3A_37 = tpu.vector_load %arg8[%swap3A_35, %swap3A_36] {strides = array<i32>} : memref<8x128xf32, #tpu.memory_space<vmem>>, vector<1x16xf32>,
      %swap3A_38 = vector.shape_cast %swap3A_37 : vector<1x16xf32> to vector<16xf32>
      %swap3A_39 = vector.shape_cast %div3A_33 : vector<16xf32> to vector<1x16xf32>
      tpu.vector_store %arg8[%swap3A_35, %swap3A_36], %swap3A_39 {strides = array<i32>} : memref<8x128xf32, #tpu.memory_space<vmem>>, vector<1x16xf32>,
      %get3A_40 = arith.constant 2 : i32
      %get3A_41 = arith.index_cast %get3A_40 : i32 to index
      %get3A_42 = arith.constant 0 : index
      %get3A_43 = tpu.vector_load %arg8[%get3A_41, %get3A_42] {strides = array<i32>} : memref<8x128xf32, #tpu.memory_space<vmem>>, vector<1x16xf32>,
      %get3A_44 = vector.shape_cast %get3A_43 : vector<1x16xf32> to vector<16xf32>
      %gather3A_45 = vector.shape_cast %broadcast_in_dim3A_10 : vector<16x1xi32> to vector<16xi32>
      %gather3A_46 = tpu.dynamic_gather %get3A_44[%gather3A_45] in [0] : vector<16xf32>, vector<16xi32> -> vector<16xf32>
      %max3A_47 = arith.constant 1.000000e+00 : f32
      %max3A_48 = vector.broadcast %max3A_47 : f32 to vector<16xf32>
      %max3A_49 = arith.maximumf %gather3A_46, %max3A_48 : vector<16xf32>
      %div3A_50 = arith.divf %get3A_44, %max3A_49 : vector<16xf32>
      %swap3A_51 = arith.constant 2 : i32
      %swap3A_52 = arith.index_cast %swap3A_51 : i32 to index
      %swap3A_53 = arith.constant 0 : index
      %swap3A_54 = tpu.vector_load %arg8[%swap3A_52, %swap3A_53] {strides = array<i32>} : memref<8x128xf32, #tpu.memory_space<vmem>>, vector<1x16xf32>,
      %swap3A_55 = vector.shape_cast %swap3A_54 : vector<1x16xf32> to vector<16xf32>
      %swap3A_56 = vector.shape_cast %div3A_50 : vector<16xf32> to vector<1x16xf32>
      tpu.vector_store %arg8[%swap3A_52, %swap3A_53], %swap3A_56 {strides = array<i32>} : memref<8x128xf32, #tpu.memory_space<vmem>>, vector<1x16xf32>,
      %get3A_57 = arith.constant 3 : i32
      %get3A_58 = arith.index_cast %get3A_57 : i32 to index
      %get3A_59 = arith.constant 0 : index
      %get3A_60 = tpu.vector_load %arg8[%get3A_58, %get3A_59] {strides = array<i32>} : memref<8x128xf32, #tpu.memory_space<vmem>>, vector<1x16xf32>,
      %get3A_61 = vector.shape_cast %get3A_60 : vector<1x16xf32> to vector<16xf32>
      %gather3A_62 = vector.shape_cast %broadcast_in_dim3A_10 : vector<16x1xi32> to vector<16xi32>
      %gather3A_63 = tpu.dynamic_gather %get3A_61[%gather3A_62] in [0] : vector<16xf32>, vector<16xi32> -> vector<16xf32>
      %max3A_64 = arith.constant 1.000000e+00 : f32
      %max3A_65 = vector.broadcast %max3A_64 : f32 to vector<16xf32>
      %max3A_66 = arith.maximumf %gather3A_63, %max3A_65 : vector<16xf32>
      %div3A_67 = arith.divf %get3A_61, %max3A_66 : vector<16xf32>
      %swap3A_68 = arith.constant 3 : i32
      %swap3A_69 = arith.index_cast %swap3A_68 : i32 to index
      %swap3A_70 = arith.constant 0 : index
      %swap3A_71 = tpu.vector_load %arg8[%swap3A_69, %swap3A_70] {strides = array<i32>} : memref<8x128xf32, #tpu.memory_space<vmem>>, vector<1x16xf32>,
      %swap3A_72 = vector.shape_cast %swap3A_71 : vector<1x16xf32> to vector<16xf32>
      %swap3A_73 = vector.shape_cast %div3A_67 : vector<16xf32> to vector<1x16xf32>
      tpu.vector_store %arg8[%swap3A_69, %swap3A_70], %swap3A_73 {strides = array<i32>} : memref<8x128xf32, #tpu.memory_space<vmem>>, vector<1x16xf32>,
      %get3A_74 = arith.constant 4 : i32
      %get3A_75 = arith.index_cast %get3A_74 : i32 to index
      %get3A_76 = arith.constant 0 : index
      %get3A_77 = tpu.vector_load %arg8[%get3A_75, %get3A_76] {strides = array<i32>} : memref<8x128xf32, #tpu.memory_space<vmem>>, vector<1x16xf32>,
      %get3A_78 = vector.shape_cast %get3A_77 : vector<1x16xf32> to vector<16xf32>
      %gather3A_79 = vector.shape_cast %broadcast_in_dim3A_10 : vector<16x1xi32> to vector<16xi32>
      %gather3A_80 = tpu.dynamic_gather %get3A_78[%gather3A_79] in [0] : vector<16xf32>, vector<16xi32> -> vector<16xf32>
      %max3A_81 = arith.constant 1.000000e+00 : f32
      %max3A_82 = vector.broadcast %max3A_81 : f32 to vector<16xf32>
      %max3A_83 = arith.maximumf %gather3A_80, %max3A_82 : vector<16xf32>
      %div3A_84 = arith.divf %get3A_78, %max3A_83 : vector<16xf32>
      %swap3A_85 = arith.constant 4 : i32
      %swap3A_86 = arith.index_cast %swap3A_85 : i32 to index
      %swap3A_87 = arith.constant 0 : index
      %swap3A_88 = tpu.vector_load %arg8[%swap3A_86, %swap3A_87] {strides = array<i32>} : memref<8x128xf32, #tpu.memory_space<vmem>>, vector<1x16xf32>,
      %swap3A_89 = vector.shape_cast %swap3A_88 : vector<1x16xf32> to vector<16xf32>
      %swap3A_90 = vector.shape_cast %div3A_84 : vector<16xf32> to vector<1x16xf32>
      tpu.vector_store %arg8[%swap3A_86, %swap3A_87], %swap3A_90 {strides = array<i32>} : memref<8x128xf32, #tpu.memory_space<vmem>>, vector<1x16xf32>,
      %get3A_91 = arith.constant 5 : i32
      %get3A_92 = arith.index_cast %get3A_91 : i32 to index
      %get3A_93 = arith.constant 0 : index
      %get3A_94 = tpu.vector_load %arg8[%get3A_92, %get3A_93] {strides = array<i32>} : memref<8x128xf32, #tpu.memory_space<vmem>>, vector<1x16xf32>,
      %get3A_95 = vector.shape_cast %get3A_94 : vector<1x16xf32> to vector<16xf32>
      %gather3A_96 = vector.shape_cast %broadcast_in_dim3A_10 : vector<16x1xi32> to vector<16xi32>
      %gather3A_97 = tpu.dynamic_gather %get3A_95[%gather3A_96] in [0] : vector<16xf32>, vector<16xi32> -> vector<16xf32>
      %max3A_98 = arith.constant 1.000000e+00 : f32
      %max3A_99 = vector.broadcast %max3A_98 : f32 to vector<16xf32>
      %max3A_100 = arith.maximumf %gather3A_97, %max3A_99 : vector<16xf32>
      %div3A_101 = arith.divf %get3A_95, %max3A_100 : vector<16xf32>
      %swap3A_102 = arith.constant 5 : i32
      %swap3A_103 = arith.index_cast %swap3A_102 : i32 to index
      %swap3A_104 = arith.constant 0 : index
      %swap3A_105 = tpu.vector_load %arg8[%swap3A_103, %swap3A_104] {strides = array<i32>} : memref<8x128xf32, #tpu.memory_space<vmem>>, vector<1x16xf32>,
      %swap3A_106 = vector.shape_cast %swap3A_105 : vector<1x16xf32> to vector<16xf32>
      %swap3A_107 = vector.shape_cast %div3A_101 : vector<16xf32> to vector<1x16xf32>
      tpu.vector_store %arg8[%swap3A_103, %swap3A_104], %swap3A_107 {strides = array<i32>} : memref<8x128xf32, #tpu.memory_space<vmem>>, vector<1x16xf32>,
      %get3A_108 = arith.constant 6 : i32
      %get3A_109 = arith.index_cast %get3A_108 : i32 to index
      %get3A_110 = arith.constant 0 : index
      %get3A_111 = tpu.vector_load %arg8[%get3A_109, %get3A_110] {strides = array<i32>} : memref<8x128xf32, #tpu.memory_space<vmem>>, vector<1x16xf32>,
      %get3A_112 = vector.shape_cast %get3A_111 : vector<1x16xf32> to vector<16xf32>
      %gather3A_113 = vector.shape_cast %broadcast_in_dim3A_10 : vector<16x1xi32> to vector<16xi32>
      %gather3A_114 = tpu.dynamic_gather %get3A_112[%gather3A_113] in [0] : vector<16xf32>, vector<16xi32> -> vector<16xf32>
      %max3A_115 = arith.constant 1.000000e+00 : f32
      %max3A_116 = vector.broadcast %max3A_115 : f32 to vector<16xf32>
      %max3A_117 = arith.maximumf %gather3A_114, %max3A_116 : vector<16xf32>
      %div3A_118 = arith.divf %get3A_112, %max3A_117 : vector<16xf32>
      %swap3A_119 = arith.constant 6 : i32
      %swap3A_120 = arith.index_cast %swap3A_119 : i32 to index
      %swap3A_121 = arith.constant 0 : index
      %swap3A_122 = tpu.vector_load %arg8[%swap3A_120, %swap3A_121] {strides = array<i32>} : memref<8x128xf32, #tpu.memory_space<vmem>>, vector<1x16xf32>,
      %swap3A_123 = vector.shape_cast %swap3A_122 : vector<1x16xf32> to vector<16xf32>
      %swap3A_124 = vector.shape_cast %div3A_118 : vector<16xf32> to vector<1x16xf32>
      tpu.vector_store %arg8[%swap3A_120, %swap3A_121], %swap3A_124 {strides = array<i32>} : memref<8x128xf32, #tpu.memory_space<vmem>>, vector<1x16xf32>,
      %get3A_125 = arith.constant 7 : i32
      %get3A_126 = arith.index_cast %get3A_125 : i32 to index
      %get3A_127 = arith.constant 0 : index
      %get3A_128 = tpu.vector_load %arg8[%get3A_126, %get3A_127] {strides = array<i32>} : memref<8x128xf32, #tpu.memory_space<vmem>>, vector<1x16xf32>,
      %get3A_129 = vector.shape_cast %get3A_128 : vector<1x16xf32> to vector<16xf32>
      %gather3A_130 = vector.shape_cast %broadcast_in_dim3A_10 : vector<16x1xi32> to vector<16xi32>
      %gather3A_131 = tpu.dynamic_gather %get3A_129[%gather3A_130] in [0] : vector<16xf32>, vector<16xi32> -> vector<16xf32>
      %max3A_132 = arith.constant 1.000000e+00 : f32
      %max3A_133 = vector.broadcast %max3A_132 : f32 to vector<16xf32>
      %max3A_134 = arith.maximumf %gather3A_131, %max3A_133 : vector<16xf32>
      %div3A_135 = arith.divf %get3A_129, %max3A_134 : vector<16xf32>
      %swap3A_136 = arith.constant 7 : i32
      %swap3A_137 = arith.index_cast %swap3A_136 : i32 to index
      %swap3A_138 = arith.constant 0 : index
      %swap3A_139 = tpu.vector_load %arg8[%swap3A_137, %swap3A_138] {strides = array<i32>} : memref<8x128xf32, #tpu.memory_space<vmem>>, vector<1x16xf32>,
      %swap3A_140 = vector.shape_cast %swap3A_139 : vector<1x16xf32> to vector<16xf32>
      %swap3A_141 = vector.shape_cast %div3A_135 : vector<16xf32> to vector<1x16xf32>
      tpu.vector_store %arg8[%swap3A_137, %swap3A_138], %swap3A_141 {strides = array<i32>} : memref<8x128xf32, #tpu.memory_space<vmem>>, vector<1x16xf32>,
      %mul3A_142 = arith.constant 8 : i32
      %mul3A_143 = arith.muli %arg1, %mul3A_142 : i32
      "tpu.region"() ({
        %run_scoped3A = tpu.sem_alloc : memref<!tpu.dma_semaphore, #tpu.memory_space<semaphore_mem>>
        %dma_start3A = arith.constant 0 : i32
        %dma_start3A_144 = tpu.memref_slice %arg5[%mul3A_143, %dma_start3A] : memref<128x128xf32, #tpu.memory_space<hbm>> -> memref<8x128xf32, #tpu.memory_space<hbm>>
        %dma_start3A_145 = arith.constant 0 : i32
        %dma_start3A_146 = tpu.memref_slice %arg5[%mul3A_143, %dma_start3A_145] : memref<128x128xf32, #tpu.memory_space<hbm>> -> memref<8x128xf32, #tpu.memory_space<hbm>>
        tpu.enqueue_dma source(%arg8 : memref<8x128xf32, #tpu.memory_space<vmem>>) target(%dma_start3A_146 : memref<8x128xf32, #tpu.memory_space<hbm>>) target_semaphore(%run_scoped3A : memref<!tpu.dma_semaphore, #tpu.memory_space<semaphore_mem>>)
        %dma_wait3A = arith.constant 0 : i32
        %dma_wait3A_147 = tpu.memref_slice %arg5[%mul3A_143, %dma_wait3A] : memref<128x128xf32, #tpu.memory_space<hbm>> -> memref<8x128xf32, #tpu.memory_space<hbm>>
        %dma_wait3A_148 = arith.constant 0 : i32
        %dma_wait3A_149 = tpu.memref_slice %arg5[%mul3A_143, %dma_wait3A_148] : memref<128x128xf32, #tpu.memory_space<hbm>> -> memref<8x128xf32, #tpu.memory_space<hbm>>
        tpu.wait_dma2 semaphore(%run_scoped3A : memref<!tpu.dma_semaphore, #tpu.memory_space<semaphore_mem>>) src(%arg8 : memref<8x128xf32, #tpu.memory_space<vmem>>) dst(%dma_wait3A_149 : memref<8x128xf32, #tpu.memory_space<hbm>>)
        tpu.yield
      }) : () -> ()
    } else {
    }
    return
  }
}

module attributes {stable_mosaic.version = 14 : i64} {
  func.func @_mlp_body(%arg0: i32, %arg1: memref<4096x128xf32, #tpu.memory_space<vmem>>, %arg2: memref<128x512xbf16, #tpu.memory_space<vmem>>, %arg3: memref<1x256xf32, #tpu.memory_space<vmem>>, %arg4: memref<384x4096xbf16, #tpu.memory_space<vmem>>, %arg5: memref<1x256xf32, #tpu.memory_space<vmem>>, %arg6: memref<1x256xf32, #tpu.memory_space<vmem>>, %arg7: memref<1x128xf32, #tpu.memory_space<vmem>>, %arg8: memref<32x128xf32, #tpu.memory_space<vmem>>) attributes {dimension_semantics = [#tpu.dimension_semantics<arbitrary>], iteration_bounds = array<i64: 128>, scalar_prefetch = 0 : i64, scratch_operands = 0 : i64, tpu.core_type = #tpu.core_type<tc>, window_params = [{transform_indices = @transform_0, window_bounds = array<i64: 4096, 128>}, {pipeline_mode = #tpu.pipeline_mode<synchronous>, transform_indices = @transform_1, window_bounds = array<i64: 128, 512>}, {pipeline_mode = #tpu.pipeline_mode<synchronous>, transform_indices = @transform_2, window_bounds = array<i64: 1, 256>}, {pipeline_mode = #tpu.pipeline_mode<synchronous>, transform_indices = @transform_3, window_bounds = array<i64: 384, 4096>}, {pipeline_mode = #tpu.pipeline_mode<synchronous>, transform_indices = @transform_4, window_bounds = array<i64: 1, 256>}, {pipeline_mode = #tpu.pipeline_mode<synchronous>, transform_indices = @transform_5, window_bounds = array<i64: 1, 256>}, {pipeline_mode = #tpu.pipeline_mode<synchronous>, transform_indices = @transform_6, window_bounds = array<i64: 1, 128>}, {transform_indices = @transform_7, window_bounds = array<i64: 32, 128>}]} {
    %broadcast_in_dim3A = arith.constant 0.000000e+00 : f32
    %broadcast_in_dim3A_0 = vector.broadcast %broadcast_in_dim3A : f32 to vector<384x256xf32>
    %get3A = arith.constant 0 : index
    %get3A_1 = arith.constant 0 : index
    %get3A_2 = vector.load %arg1[%get3A, %get3A_1] : memref<4096x128xf32, #tpu.memory_space<vmem>>, vector<512x128xf32>
    %convert_element_type3A = arith.truncf %get3A_2 : vector<512x128xf32> to vector<512x128xbf16>
    %get3A_3 = arith.constant 0 : index
    %get3A_4 = arith.constant 0 : index
    %get3A_5 = vector.load %arg2[%get3A_3, %get3A_4] : memref<128x512xbf16, #tpu.memory_space<vmem>>, vector<128x512xbf16>
    %dot_general3A = arith.constant dense<0.000000e+00> : vector<512x512xf32>
    %dot_general3A_6 = tpu.matmul %convert_element_type3A, %get3A_5, %dot_general3A {dimension_numbers = #tpu.dot_dimension_numbers<[1], [0], [0], [1], [0, 0, 1, 1], [], []>, transpose_lhs_hint = false} : vector<512x128xbf16>, vector<128x512xbf16>, vector<512x512xf32> -> vector<512x512xf32>
    %slice3A = vector.extract_strided_slice %dot_general3A_6 {offsets = [0, 0], sizes = [512, 256], strides = [1, 1]} : vector<512x512xf32> to vector<512x256xf32>
    %slice3A_7 = vector.extract_strided_slice %dot_general3A_6 {offsets = [0, 256], sizes = [512, 256], strides = [1, 1]} : vector<512x512xf32> to vector<512x256xf32>
    %add3A = arith.addf %slice3A, %slice3A_7 : vector<512x256xf32>
    %get3A_8 = arith.constant 0 : index
    %get3A_9 = arith.constant 0 : index
    %get3A_10 = vector.load %arg3[%get3A_8, %get3A_9] : memref<1x256xf32, #tpu.memory_space<vmem>>, vector<1x256xf32>
    %add3A_11 = vector.broadcast %get3A_10 : vector<1x256xf32> to vector<512x256xf32>
    %add3A_12 = arith.addf %add3A, %add3A_11 : vector<512x256xf32>
    %logistic3A = arith.negf %add3A_12 : vector<512x256xf32>
    %logistic3A_13 = math.exp %logistic3A : vector<512x256xf32>
    %logistic3A_14 = arith.constant 1.000000e+00 : f32
    %logistic3A_15 = vector.broadcast %logistic3A_14 : f32 to vector<512x256xf32>
    %logistic3A_16 = arith.addf %logistic3A_15, %logistic3A_13 : vector<512x256xf32>
    %logistic3A_17 = arith.divf %logistic3A_15, %logistic3A_16 : vector<512x256xf32>
    %mul3A = arith.mulf %add3A_12, %logistic3A_17 : vector<512x256xf32>
    %convert_element_type3A_18 = arith.truncf %mul3A : vector<512x256xf32> to vector<512x256xbf16>
    %get3A_19 = arith.constant 0 : index
    %get3A_20 = arith.constant 0 : index
    %get3A_21 = vector.load %arg4[%get3A_19, %get3A_20] : memref<384x4096xbf16, #tpu.memory_space<vmem>>, vector<384x512xbf16>
    %dot_general3A_22 = arith.constant dense<0.000000e+00> : vector<384x256xf32>
    %dot_general3A_23 = tpu.matmul %get3A_21, %convert_element_type3A_18, %dot_general3A_22 {dimension_numbers = #tpu.dot_dimension_numbers<[1], [0], [0], [1], [0, 0, 1, 1], [], []>, transpose_lhs_hint = false} : vector<384x512xbf16>, vector<512x256xbf16>, vector<384x256xf32> -> vector<384x256xf32>
    %add3A_24 = arith.addf %broadcast_in_dim3A_0, %dot_general3A_23 : vector<384x256xf32>
    %get3A_25 = arith.constant 512 : index
    %get3A_26 = arith.constant 0 : index
    %get3A_27 = vector.load %arg1[%get3A_25, %get3A_26] : memref<4096x128xf32, #tpu.memory_space<vmem>>, vector<512x128xf32>
    %convert_element_type3A_28 = arith.truncf %get3A_27 : vector<512x128xf32> to vector<512x128xbf16>
    %get3A_29 = arith.constant 0 : index
    %get3A_30 = arith.constant 0 : index
    %get3A_31 = vector.load %arg2[%get3A_29, %get3A_30] : memref<128x512xbf16, #tpu.memory_space<vmem>>, vector<128x512xbf16>
    %dot_general3A_32 = arith.constant dense<0.000000e+00> : vector<512x512xf32>
    %dot_general3A_33 = tpu.matmul %convert_element_type3A_28, %get3A_31, %dot_general3A_32 {dimension_numbers = #tpu.dot_dimension_numbers<[1], [0], [0], [1], [0, 0, 1, 1], [], []>, transpose_lhs_hint = false} : vector<512x128xbf16>, vector<128x512xbf16>, vector<512x512xf32> -> vector<512x512xf32>
    %slice3A_34 = vector.extract_strided_slice %dot_general3A_33 {offsets = [0, 0], sizes = [512, 256], strides = [1, 1]} : vector<512x512xf32> to vector<512x256xf32>
    %slice3A_35 = vector.extract_strided_slice %dot_general3A_33 {offsets = [0, 256], sizes = [512, 256], strides = [1, 1]} : vector<512x512xf32> to vector<512x256xf32>
    %add3A_36 = arith.addf %slice3A_34, %slice3A_35 : vector<512x256xf32>
    %get3A_37 = arith.constant 0 : index
    %get3A_38 = arith.constant 0 : index
    %get3A_39 = vector.load %arg3[%get3A_37, %get3A_38] : memref<1x256xf32, #tpu.memory_space<vmem>>, vector<1x256xf32>
    %add3A_40 = vector.broadcast %get3A_39 : vector<1x256xf32> to vector<512x256xf32>
    %add3A_41 = arith.addf %add3A_36, %add3A_40 : vector<512x256xf32>
    %logistic3A_42 = arith.negf %add3A_41 : vector<512x256xf32>
    %logistic3A_43 = math.exp %logistic3A_42 : vector<512x256xf32>
    %logistic3A_44 = arith.constant 1.000000e+00 : f32
    %logistic3A_45 = vector.broadcast %logistic3A_44 : f32 to vector<512x256xf32>
    %logistic3A_46 = arith.addf %logistic3A_45, %logistic3A_43 : vector<512x256xf32>
    %logistic3A_47 = arith.divf %logistic3A_45, %logistic3A_46 : vector<512x256xf32>
    %mul3A_48 = arith.mulf %add3A_41, %logistic3A_47 : vector<512x256xf32>
    %convert_element_type3A_49 = arith.truncf %mul3A_48 : vector<512x256xf32> to vector<512x256xbf16>
    %get3A_50 = arith.constant 0 : index
    %get3A_51 = arith.constant 512 : index
    %get3A_52 = vector.load %arg4[%get3A_50, %get3A_51] : memref<384x4096xbf16, #tpu.memory_space<vmem>>, vector<384x512xbf16>
    %dot_general3A_53 = arith.constant dense<0.000000e+00> : vector<384x256xf32>
    %dot_general3A_54 = tpu.matmul %get3A_52, %convert_element_type3A_49, %dot_general3A_53 {dimension_numbers = #tpu.dot_dimension_numbers<[1], [0], [0], [1], [0, 0, 1, 1], [], []>, transpose_lhs_hint = false} : vector<384x512xbf16>, vector<512x256xbf16>, vector<384x256xf32> -> vector<384x256xf32>
    %add3A_55 = arith.addf %add3A_24, %dot_general3A_54 : vector<384x256xf32>
    %get3A_56 = arith.constant 1024 : index
    %get3A_57 = arith.constant 0 : index
    %get3A_58 = vector.load %arg1[%get3A_56, %get3A_57] : memref<4096x128xf32, #tpu.memory_space<vmem>>, vector<512x128xf32>
    %convert_element_type3A_59 = arith.truncf %get3A_58 : vector<512x128xf32> to vector<512x128xbf16>
    %get3A_60 = arith.constant 0 : index
    %get3A_61 = arith.constant 0 : index
    %get3A_62 = vector.load %arg2[%get3A_60, %get3A_61] : memref<128x512xbf16, #tpu.memory_space<vmem>>, vector<128x512xbf16>
    %dot_general3A_63 = arith.constant dense<0.000000e+00> : vector<512x512xf32>
    %dot_general3A_64 = tpu.matmul %convert_element_type3A_59, %get3A_62, %dot_general3A_63 {dimension_numbers = #tpu.dot_dimension_numbers<[1], [0], [0], [1], [0, 0, 1, 1], [], []>, transpose_lhs_hint = false} : vector<512x128xbf16>, vector<128x512xbf16>, vector<512x512xf32> -> vector<512x512xf32>
    %slice3A_65 = vector.extract_strided_slice %dot_general3A_64 {offsets = [0, 0], sizes = [512, 256], strides = [1, 1]} : vector<512x512xf32> to vector<512x256xf32>
    %slice3A_66 = vector.extract_strided_slice %dot_general3A_64 {offsets = [0, 256], sizes = [512, 256], strides = [1, 1]} : vector<512x512xf32> to vector<512x256xf32>
    %add3A_67 = arith.addf %slice3A_65, %slice3A_66 : vector<512x256xf32>
    %get3A_68 = arith.constant 0 : index
    %get3A_69 = arith.constant 0 : index
    %get3A_70 = vector.load %arg3[%get3A_68, %get3A_69] : memref<1x256xf32, #tpu.memory_space<vmem>>, vector<1x256xf32>
    %add3A_71 = vector.broadcast %get3A_70 : vector<1x256xf32> to vector<512x256xf32>
    %add3A_72 = arith.addf %add3A_67, %add3A_71 : vector<512x256xf32>
    %logistic3A_73 = arith.negf %add3A_72 : vector<512x256xf32>
    %logistic3A_74 = math.exp %logistic3A_73 : vector<512x256xf32>
    %logistic3A_75 = arith.constant 1.000000e+00 : f32
    %logistic3A_76 = vector.broadcast %logistic3A_75 : f32 to vector<512x256xf32>
    %logistic3A_77 = arith.addf %logistic3A_76, %logistic3A_74 : vector<512x256xf32>
    %logistic3A_78 = arith.divf %logistic3A_76, %logistic3A_77 : vector<512x256xf32>
    %mul3A_79 = arith.mulf %add3A_72, %logistic3A_78 : vector<512x256xf32>
    %convert_element_type3A_80 = arith.truncf %mul3A_79 : vector<512x256xf32> to vector<512x256xbf16>
    %get3A_81 = arith.constant 0 : index
    %get3A_82 = arith.constant 1024 : index
    %get3A_83 = vector.load %arg4[%get3A_81, %get3A_82] : memref<384x4096xbf16, #tpu.memory_space<vmem>>, vector<384x512xbf16>
    %dot_general3A_84 = arith.constant dense<0.000000e+00> : vector<384x256xf32>
    %dot_general3A_85 = tpu.matmul %get3A_83, %convert_element_type3A_80, %dot_general3A_84 {dimension_numbers = #tpu.dot_dimension_numbers<[1], [0], [0], [1], [0, 0, 1, 1], [], []>, transpose_lhs_hint = false} : vector<384x512xbf16>, vector<512x256xbf16>, vector<384x256xf32> -> vector<384x256xf32>
    %add3A_86 = arith.addf %add3A_55, %dot_general3A_85 : vector<384x256xf32>
    %get3A_87 = arith.constant 1536 : index
    %get3A_88 = arith.constant 0 : index
    %get3A_89 = vector.load %arg1[%get3A_87, %get3A_88] : memref<4096x128xf32, #tpu.memory_space<vmem>>, vector<512x128xf32>
    %convert_element_type3A_90 = arith.truncf %get3A_89 : vector<512x128xf32> to vector<512x128xbf16>
    %get3A_91 = arith.constant 0 : index
    %get3A_92 = arith.constant 0 : index
    %get3A_93 = vector.load %arg2[%get3A_91, %get3A_92] : memref<128x512xbf16, #tpu.memory_space<vmem>>, vector<128x512xbf16>
    %dot_general3A_94 = arith.constant dense<0.000000e+00> : vector<512x512xf32>
    %dot_general3A_95 = tpu.matmul %convert_element_type3A_90, %get3A_93, %dot_general3A_94 {dimension_numbers = #tpu.dot_dimension_numbers<[1], [0], [0], [1], [0, 0, 1, 1], [], []>, transpose_lhs_hint = false} : vector<512x128xbf16>, vector<128x512xbf16>, vector<512x512xf32> -> vector<512x512xf32>
    %slice3A_96 = vector.extract_strided_slice %dot_general3A_95 {offsets = [0, 0], sizes = [512, 256], strides = [1, 1]} : vector<512x512xf32> to vector<512x256xf32>
    %slice3A_97 = vector.extract_strided_slice %dot_general3A_95 {offsets = [0, 256], sizes = [512, 256], strides = [1, 1]} : vector<512x512xf32> to vector<512x256xf32>
    %add3A_98 = arith.addf %slice3A_96, %slice3A_97 : vector<512x256xf32>
    %get3A_99 = arith.constant 0 : index
    %get3A_100 = arith.constant 0 : index
    %get3A_101 = vector.load %arg3[%get3A_99, %get3A_100] : memref<1x256xf32, #tpu.memory_space<vmem>>, vector<1x256xf32>
    %add3A_102 = vector.broadcast %get3A_101 : vector<1x256xf32> to vector<512x256xf32>
    %add3A_103 = arith.addf %add3A_98, %add3A_102 : vector<512x256xf32>
    %logistic3A_104 = arith.negf %add3A_103 : vector<512x256xf32>
    %logistic3A_105 = math.exp %logistic3A_104 : vector<512x256xf32>
    %logistic3A_106 = arith.constant 1.000000e+00 : f32
    %logistic3A_107 = vector.broadcast %logistic3A_106 : f32 to vector<512x256xf32>
    %logistic3A_108 = arith.addf %logistic3A_107, %logistic3A_105 : vector<512x256xf32>
    %logistic3A_109 = arith.divf %logistic3A_107, %logistic3A_108 : vector<512x256xf32>
    %mul3A_110 = arith.mulf %add3A_103, %logistic3A_109 : vector<512x256xf32>
    %convert_element_type3A_111 = arith.truncf %mul3A_110 : vector<512x256xf32> to vector<512x256xbf16>
    %get3A_112 = arith.constant 0 : index
    %get3A_113 = arith.constant 1536 : index
    %get3A_114 = vector.load %arg4[%get3A_112, %get3A_113] : memref<384x4096xbf16, #tpu.memory_space<vmem>>, vector<384x512xbf16>
    %dot_general3A_115 = arith.constant dense<0.000000e+00> : vector<384x256xf32>
    %dot_general3A_116 = tpu.matmul %get3A_114, %convert_element_type3A_111, %dot_general3A_115 {dimension_numbers = #tpu.dot_dimension_numbers<[1], [0], [0], [1], [0, 0, 1, 1], [], []>, transpose_lhs_hint = false} : vector<384x512xbf16>, vector<512x256xbf16>, vector<384x256xf32> -> vector<384x256xf32>
    %add3A_117 = arith.addf %add3A_86, %dot_general3A_116 : vector<384x256xf32>
    %get3A_118 = arith.constant 2048 : index
    %get3A_119 = arith.constant 0 : index
    %get3A_120 = vector.load %arg1[%get3A_118, %get3A_119] : memref<4096x128xf32, #tpu.memory_space<vmem>>, vector<512x128xf32>
    %convert_element_type3A_121 = arith.truncf %get3A_120 : vector<512x128xf32> to vector<512x128xbf16>
    %get3A_122 = arith.constant 0 : index
    %get3A_123 = arith.constant 0 : index
    %get3A_124 = vector.load %arg2[%get3A_122, %get3A_123] : memref<128x512xbf16, #tpu.memory_space<vmem>>, vector<128x512xbf16>
    %dot_general3A_125 = arith.constant dense<0.000000e+00> : vector<512x512xf32>
    %dot_general3A_126 = tpu.matmul %convert_element_type3A_121, %get3A_124, %dot_general3A_125 {dimension_numbers = #tpu.dot_dimension_numbers<[1], [0], [0], [1], [0, 0, 1, 1], [], []>, transpose_lhs_hint = false} : vector<512x128xbf16>, vector<128x512xbf16>, vector<512x512xf32> -> vector<512x512xf32>
    %slice3A_127 = vector.extract_strided_slice %dot_general3A_126 {offsets = [0, 0], sizes = [512, 256], strides = [1, 1]} : vector<512x512xf32> to vector<512x256xf32>
    %slice3A_128 = vector.extract_strided_slice %dot_general3A_126 {offsets = [0, 256], sizes = [512, 256], strides = [1, 1]} : vector<512x512xf32> to vector<512x256xf32>
    %add3A_129 = arith.addf %slice3A_127, %slice3A_128 : vector<512x256xf32>
    %get3A_130 = arith.constant 0 : index
    %get3A_131 = arith.constant 0 : index
    %get3A_132 = vector.load %arg3[%get3A_130, %get3A_131] : memref<1x256xf32, #tpu.memory_space<vmem>>, vector<1x256xf32>
    %add3A_133 = vector.broadcast %get3A_132 : vector<1x256xf32> to vector<512x256xf32>
    %add3A_134 = arith.addf %add3A_129, %add3A_133 : vector<512x256xf32>
    %logistic3A_135 = arith.negf %add3A_134 : vector<512x256xf32>
    %logistic3A_136 = math.exp %logistic3A_135 : vector<512x256xf32>
    %logistic3A_137 = arith.constant 1.000000e+00 : f32
    %logistic3A_138 = vector.broadcast %logistic3A_137 : f32 to vector<512x256xf32>
    %logistic3A_139 = arith.addf %logistic3A_138, %logistic3A_136 : vector<512x256xf32>
    %logistic3A_140 = arith.divf %logistic3A_138, %logistic3A_139 : vector<512x256xf32>
    %mul3A_141 = arith.mulf %add3A_134, %logistic3A_140 : vector<512x256xf32>
    %convert_element_type3A_142 = arith.truncf %mul3A_141 : vector<512x256xf32> to vector<512x256xbf16>
    %get3A_143 = arith.constant 0 : index
    %get3A_144 = arith.constant 2048 : index
    %get3A_145 = vector.load %arg4[%get3A_143, %get3A_144] : memref<384x4096xbf16, #tpu.memory_space<vmem>>, vector<384x512xbf16>
    %dot_general3A_146 = arith.constant dense<0.000000e+00> : vector<384x256xf32>
    %dot_general3A_147 = tpu.matmul %get3A_145, %convert_element_type3A_142, %dot_general3A_146 {dimension_numbers = #tpu.dot_dimension_numbers<[1], [0], [0], [1], [0, 0, 1, 1], [], []>, transpose_lhs_hint = false} : vector<384x512xbf16>, vector<512x256xbf16>, vector<384x256xf32> -> vector<384x256xf32>
    %add3A_148 = arith.addf %add3A_117, %dot_general3A_147 : vector<384x256xf32>
    %get3A_149 = arith.constant 2560 : index
    %get3A_150 = arith.constant 0 : index
    %get3A_151 = vector.load %arg1[%get3A_149, %get3A_150] : memref<4096x128xf32, #tpu.memory_space<vmem>>, vector<512x128xf32>
    %convert_element_type3A_152 = arith.truncf %get3A_151 : vector<512x128xf32> to vector<512x128xbf16>
    %get3A_153 = arith.constant 0 : index
    %get3A_154 = arith.constant 0 : index
    %get3A_155 = vector.load %arg2[%get3A_153, %get3A_154] : memref<128x512xbf16, #tpu.memory_space<vmem>>, vector<128x512xbf16>
    %dot_general3A_156 = arith.constant dense<0.000000e+00> : vector<512x512xf32>
    %dot_general3A_157 = tpu.matmul %convert_element_type3A_152, %get3A_155, %dot_general3A_156 {dimension_numbers = #tpu.dot_dimension_numbers<[1], [0], [0], [1], [0, 0, 1, 1], [], []>, transpose_lhs_hint = false} : vector<512x128xbf16>, vector<128x512xbf16>, vector<512x512xf32> -> vector<512x512xf32>
    %slice3A_158 = vector.extract_strided_slice %dot_general3A_157 {offsets = [0, 0], sizes = [512, 256], strides = [1, 1]} : vector<512x512xf32> to vector<512x256xf32>
    %slice3A_159 = vector.extract_strided_slice %dot_general3A_157 {offsets = [0, 256], sizes = [512, 256], strides = [1, 1]} : vector<512x512xf32> to vector<512x256xf32>
    %add3A_160 = arith.addf %slice3A_158, %slice3A_159 : vector<512x256xf32>
    %get3A_161 = arith.constant 0 : index
    %get3A_162 = arith.constant 0 : index
    %get3A_163 = vector.load %arg3[%get3A_161, %get3A_162] : memref<1x256xf32, #tpu.memory_space<vmem>>, vector<1x256xf32>
    %add3A_164 = vector.broadcast %get3A_163 : vector<1x256xf32> to vector<512x256xf32>
    %add3A_165 = arith.addf %add3A_160, %add3A_164 : vector<512x256xf32>
    %logistic3A_166 = arith.negf %add3A_165 : vector<512x256xf32>
    %logistic3A_167 = math.exp %logistic3A_166 : vector<512x256xf32>
    %logistic3A_168 = arith.constant 1.000000e+00 : f32
    %logistic3A_169 = vector.broadcast %logistic3A_168 : f32 to vector<512x256xf32>
    %logistic3A_170 = arith.addf %logistic3A_169, %logistic3A_167 : vector<512x256xf32>
    %logistic3A_171 = arith.divf %logistic3A_169, %logistic3A_170 : vector<512x256xf32>
    %mul3A_172 = arith.mulf %add3A_165, %logistic3A_171 : vector<512x256xf32>
    %convert_element_type3A_173 = arith.truncf %mul3A_172 : vector<512x256xf32> to vector<512x256xbf16>
    %get3A_174 = arith.constant 0 : index
    %get3A_175 = arith.constant 2560 : index
    %get3A_176 = vector.load %arg4[%get3A_174, %get3A_175] : memref<384x4096xbf16, #tpu.memory_space<vmem>>, vector<384x512xbf16>
    %dot_general3A_177 = arith.constant dense<0.000000e+00> : vector<384x256xf32>
    %dot_general3A_178 = tpu.matmul %get3A_176, %convert_element_type3A_173, %dot_general3A_177 {dimension_numbers = #tpu.dot_dimension_numbers<[1], [0], [0], [1], [0, 0, 1, 1], [], []>, transpose_lhs_hint = false} : vector<384x512xbf16>, vector<512x256xbf16>, vector<384x256xf32> -> vector<384x256xf32>
    %add3A_179 = arith.addf %add3A_148, %dot_general3A_178 : vector<384x256xf32>
    %get3A_180 = arith.constant 3072 : index
    %get3A_181 = arith.constant 0 : index
    %get3A_182 = vector.load %arg1[%get3A_180, %get3A_181] : memref<4096x128xf32, #tpu.memory_space<vmem>>, vector<512x128xf32>
    %convert_element_type3A_183 = arith.truncf %get3A_182 : vector<512x128xf32> to vector<512x128xbf16>
    %get3A_184 = arith.constant 0 : index
    %get3A_185 = arith.constant 0 : index
    %get3A_186 = vector.load %arg2[%get3A_184, %get3A_185] : memref<128x512xbf16, #tpu.memory_space<vmem>>, vector<128x512xbf16>
    %dot_general3A_187 = arith.constant dense<0.000000e+00> : vector<512x512xf32>
    %dot_general3A_188 = tpu.matmul %convert_element_type3A_183, %get3A_186, %dot_general3A_187 {dimension_numbers = #tpu.dot_dimension_numbers<[1], [0], [0], [1], [0, 0, 1, 1], [], []>, transpose_lhs_hint = false} : vector<512x128xbf16>, vector<128x512xbf16>, vector<512x512xf32> -> vector<512x512xf32>
    %slice3A_189 = vector.extract_strided_slice %dot_general3A_188 {offsets = [0, 0], sizes = [512, 256], strides = [1, 1]} : vector<512x512xf32> to vector<512x256xf32>
    %slice3A_190 = vector.extract_strided_slice %dot_general3A_188 {offsets = [0, 256], sizes = [512, 256], strides = [1, 1]} : vector<512x512xf32> to vector<512x256xf32>
    %add3A_191 = arith.addf %slice3A_189, %slice3A_190 : vector<512x256xf32>
    %get3A_192 = arith.constant 0 : index
    %get3A_193 = arith.constant 0 : index
    %get3A_194 = vector.load %arg3[%get3A_192, %get3A_193] : memref<1x256xf32, #tpu.memory_space<vmem>>, vector<1x256xf32>
    %add3A_195 = vector.broadcast %get3A_194 : vector<1x256xf32> to vector<512x256xf32>
    %add3A_196 = arith.addf %add3A_191, %add3A_195 : vector<512x256xf32>
    %logistic3A_197 = arith.negf %add3A_196 : vector<512x256xf32>
    %logistic3A_198 = math.exp %logistic3A_197 : vector<512x256xf32>
    %logistic3A_199 = arith.constant 1.000000e+00 : f32
    %logistic3A_200 = vector.broadcast %logistic3A_199 : f32 to vector<512x256xf32>
    %logistic3A_201 = arith.addf %logistic3A_200, %logistic3A_198 : vector<512x256xf32>
    %logistic3A_202 = arith.divf %logistic3A_200, %logistic3A_201 : vector<512x256xf32>
    %mul3A_203 = arith.mulf %add3A_196, %logistic3A_202 : vector<512x256xf32>
    %convert_element_type3A_204 = arith.truncf %mul3A_203 : vector<512x256xf32> to vector<512x256xbf16>
    %get3A_205 = arith.constant 0 : index
    %get3A_206 = arith.constant 3072 : index
    %get3A_207 = vector.load %arg4[%get3A_205, %get3A_206] : memref<384x4096xbf16, #tpu.memory_space<vmem>>, vector<384x512xbf16>
    %dot_general3A_208 = arith.constant dense<0.000000e+00> : vector<384x256xf32>
    %dot_general3A_209 = tpu.matmul %get3A_207, %convert_element_type3A_204, %dot_general3A_208 {dimension_numbers = #tpu.dot_dimension_numbers<[1], [0], [0], [1], [0, 0, 1, 1], [], []>, transpose_lhs_hint = false} : vector<384x512xbf16>, vector<512x256xbf16>, vector<384x256xf32> -> vector<384x256xf32>
    %add3A_210 = arith.addf %add3A_179, %dot_general3A_209 : vector<384x256xf32>
    %get3A_211 = arith.constant 3584 : index
    %get3A_212 = arith.constant 0 : index
    %get3A_213 = vector.load %arg1[%get3A_211, %get3A_212] : memref<4096x128xf32, #tpu.memory_space<vmem>>, vector<512x128xf32>
    %convert_element_type3A_214 = arith.truncf %get3A_213 : vector<512x128xf32> to vector<512x128xbf16>
    %get3A_215 = arith.constant 0 : index
    %get3A_216 = arith.constant 0 : index
    %get3A_217 = vector.load %arg2[%get3A_215, %get3A_216] : memref<128x512xbf16, #tpu.memory_space<vmem>>, vector<128x512xbf16>
    %dot_general3A_218 = arith.constant dense<0.000000e+00> : vector<512x512xf32>
    %dot_general3A_219 = tpu.matmul %convert_element_type3A_214, %get3A_217, %dot_general3A_218 {dimension_numbers = #tpu.dot_dimension_numbers<[1], [0], [0], [1], [0, 0, 1, 1], [], []>, transpose_lhs_hint = false} : vector<512x128xbf16>, vector<128x512xbf16>, vector<512x512xf32> -> vector<512x512xf32>
    %slice3A_220 = vector.extract_strided_slice %dot_general3A_219 {offsets = [0, 0], sizes = [512, 256], strides = [1, 1]} : vector<512x512xf32> to vector<512x256xf32>
    %slice3A_221 = vector.extract_strided_slice %dot_general3A_219 {offsets = [0, 256], sizes = [512, 256], strides = [1, 1]} : vector<512x512xf32> to vector<512x256xf32>
    %add3A_222 = arith.addf %slice3A_220, %slice3A_221 : vector<512x256xf32>
    %get3A_223 = arith.constant 0 : index
    %get3A_224 = arith.constant 0 : index
    %get3A_225 = vector.load %arg3[%get3A_223, %get3A_224] : memref<1x256xf32, #tpu.memory_space<vmem>>, vector<1x256xf32>
    %add3A_226 = vector.broadcast %get3A_225 : vector<1x256xf32> to vector<512x256xf32>
    %add3A_227 = arith.addf %add3A_222, %add3A_226 : vector<512x256xf32>
    %logistic3A_228 = arith.negf %add3A_227 : vector<512x256xf32>
    %logistic3A_229 = math.exp %logistic3A_228 : vector<512x256xf32>
    %logistic3A_230 = arith.constant 1.000000e+00 : f32
    %logistic3A_231 = vector.broadcast %logistic3A_230 : f32 to vector<512x256xf32>
    %logistic3A_232 = arith.addf %logistic3A_231, %logistic3A_229 : vector<512x256xf32>
    %logistic3A_233 = arith.divf %logistic3A_231, %logistic3A_232 : vector<512x256xf32>
    %mul3A_234 = arith.mulf %add3A_227, %logistic3A_233 : vector<512x256xf32>
    %convert_element_type3A_235 = arith.truncf %mul3A_234 : vector<512x256xf32> to vector<512x256xbf16>
    %get3A_236 = arith.constant 0 : index
    %get3A_237 = arith.constant 3584 : index
    %get3A_238 = vector.load %arg4[%get3A_236, %get3A_237] : memref<384x4096xbf16, #tpu.memory_space<vmem>>, vector<384x512xbf16>
    %dot_general3A_239 = arith.constant dense<0.000000e+00> : vector<384x256xf32>
    %dot_general3A_240 = tpu.matmul %get3A_238, %convert_element_type3A_235, %dot_general3A_239 {dimension_numbers = #tpu.dot_dimension_numbers<[1], [0], [0], [1], [0, 0, 1, 1], [], []>, transpose_lhs_hint = false} : vector<384x512xbf16>, vector<512x256xbf16>, vector<384x256xf32> -> vector<384x256xf32>
    %add3A_241 = arith.addf %add3A_210, %dot_general3A_240 : vector<384x256xf32>
    %slice3A_242 = vector.extract_strided_slice %add3A_241 {offsets = [0, 0], sizes = [192, 256], strides = [1, 1]} : vector<384x256xf32> to vector<192x256xf32>
    %slice3A_243 = vector.extract_strided_slice %add3A_241 {offsets = [192, 0], sizes = [192, 256], strides = [1, 1]} : vector<384x256xf32> to vector<192x256xf32>
    %add3A_244 = arith.addf %slice3A_242, %slice3A_243 : vector<192x256xf32>
    %slice3A_245 = vector.extract_strided_slice %add3A_244 {offsets = [0, 0], sizes = [32, 256], strides = [1, 1]} : vector<192x256xf32> to vector<32x256xf32>
    %get3A_246 = arith.constant 0 : index
    %get3A_247 = arith.constant 0 : index
    %get3A_248 = vector.load %arg5[%get3A_246, %get3A_247] : memref<1x256xf32, #tpu.memory_space<vmem>>, vector<1x256xf32>
    %mul3A_249 = vector.broadcast %get3A_248 : vector<1x256xf32> to vector<32x256xf32>
    %mul3A_250 = arith.mulf %slice3A_245, %mul3A_249 : vector<32x256xf32>
    %reduce_sum3A = arith.constant dense<0.000000e+00> : vector<32xf32>
    %reduce_sum3A_251 = vector.multi_reduction <add>, %mul3A_250, %reduce_sum3A [1] : vector<32x256xf32> to vector<32xf32>
    %broadcast_in_dim3A_252 = vector.shape_cast %reduce_sum3A_251 : vector<32xf32> to vector<32x1xf32>
    %slice3A_253 = vector.extract_strided_slice %add3A_244 {offsets = [32, 0], sizes = [160, 256], strides = [1, 1]} : vector<192x256xf32> to vector<160x256xf32>
    %get3A_254 = arith.constant 0 : index
    %get3A_255 = arith.constant 0 : index
    %get3A_256 = vector.load %arg6[%get3A_254, %get3A_255] : memref<1x256xf32, #tpu.memory_space<vmem>>, vector<1x256xf32>
    %mul3A_257 = vector.broadcast %get3A_256 : vector<1x256xf32> to vector<160x256xf32>
    %mul3A_258 = arith.mulf %slice3A_253, %mul3A_257 : vector<160x256xf32>
    %reduce_sum3A_259 = arith.constant dense<0.000000e+00> : vector<160xf32>
    %reduce_sum3A_260 = vector.multi_reduction <add>, %mul3A_258, %reduce_sum3A_259 [1] : vector<160x256xf32> to vector<160xf32>
    %broadcast_in_dim3A_261 = vector.shape_cast %reduce_sum3A_260 : vector<160xf32> to vector<160x1xf32>
    %slice3A_262 = vector.extract_strided_slice %broadcast_in_dim3A_261 {offsets = [0, 0], sizes = [32, 1], strides = [1, 1]} : vector<160x1xf32> to vector<32x1xf32>
    %slice3A_263 = vector.extract_strided_slice %broadcast_in_dim3A_261 {offsets = [32, 0], sizes = [32, 1], strides = [1, 1]} : vector<160x1xf32> to vector<32x1xf32>
    %slice3A_264 = vector.extract_strided_slice %broadcast_in_dim3A_261 {offsets = [64, 0], sizes = [32, 1], strides = [1, 1]} : vector<160x1xf32> to vector<32x1xf32>
    %slice3A_265 = vector.extract_strided_slice %broadcast_in_dim3A_261 {offsets = [96, 0], sizes = [32, 1], strides = [1, 1]} : vector<160x1xf32> to vector<32x1xf32>
    %slice3A_266 = vector.extract_strided_slice %broadcast_in_dim3A_261 {offsets = [128, 0], sizes = [32, 1], strides = [1, 1]} : vector<160x1xf32> to vector<32x1xf32>
    %broadcast_in_dim3A_267 = arith.constant 0.000000e+00 : f32
    %broadcast_in_dim3A_268 = vector.broadcast %broadcast_in_dim3A_267 : f32 to vector<32x122xf32>
    %concatenate3A = tpu.concatenate %broadcast_in_dim3A_252, %slice3A_262, %slice3A_263, %slice3A_264, %slice3A_265, %slice3A_266, %broadcast_in_dim3A_268 in 1 : vector<32x1xf32>, vector<32x1xf32>, vector<32x1xf32>, vector<32x1xf32>, vector<32x1xf32>, vector<32x1xf32>, vector<32x122xf32> -> vector<32x128xf32>
    %get3A_269 = arith.constant 0 : index
    %get3A_270 = arith.constant 0 : index
    %get3A_271 = vector.load %arg7[%get3A_269, %get3A_270] : memref<1x128xf32, #tpu.memory_space<vmem>>, vector<1x128xf32>
    %add3A_272 = vector.broadcast %get3A_271 : vector<1x128xf32> to vector<32x128xf32>
    %add3A_273 = arith.addf %concatenate3A, %add3A_272 : vector<32x128xf32>
    %swap3A = arith.constant 0 : index
    %swap3A_274 = arith.constant 0 : index
    %swap3A_275 = vector.load %arg8[%swap3A, %swap3A_274] : memref<32x128xf32, #tpu.memory_space<vmem>>, vector<32x128xf32>
    tpu.vector_store %arg8[%swap3A, %swap3A_274], %add3A_273 {strides = array<i32>} : memref<32x128xf32, #tpu.memory_space<vmem>>, vector<32x128xf32>,
    return
  }
  func.func @transform_0(%arg0: i32) -> (i32, i32) {
    %c0_i32 = arith.constant 0 : i32
    %c0_i32_0 = arith.constant 0 : i32
    return %arg0, %c0_i32 : i32, i32
  }
  func.func @transform_1(%arg0: i32) -> (i32, i32) {
    %c0_i32 = arith.constant 0 : i32
    %c0_i32_0 = arith.constant 0 : i32
    %c0_i32_1 = arith.constant 0 : i32
    return %c0_i32, %c0_i32_0 : i32, i32
  }
  func.func @transform_2(%arg0: i32) -> (i32, i32) {
    %c0_i32 = arith.constant 0 : i32
    %c0_i32_0 = arith.constant 0 : i32
    %c0_i32_1 = arith.constant 0 : i32
    return %c0_i32, %c0_i32_0 : i32, i32
  }
  func.func @transform_3(%arg0: i32) -> (i32, i32) {
    %c0_i32 = arith.constant 0 : i32
    %c0_i32_0 = arith.constant 0 : i32
    %c0_i32_1 = arith.constant 0 : i32
    return %c0_i32, %c0_i32_0 : i32, i32
  }
  func.func @transform_4(%arg0: i32) -> (i32, i32) {
    %c0_i32 = arith.constant 0 : i32
    %c0_i32_0 = arith.constant 0 : i32
    %c0_i32_1 = arith.constant 0 : i32
    return %c0_i32, %c0_i32_0 : i32, i32
  }
  func.func @transform_5(%arg0: i32) -> (i32, i32) {
    %c0_i32 = arith.constant 0 : i32
    %c0_i32_0 = arith.constant 0 : i32
    %c0_i32_1 = arith.constant 0 : i32
    return %c0_i32, %c0_i32_0 : i32, i32
  }
  func.func @transform_6(%arg0: i32) -> (i32, i32) {
    %c0_i32 = arith.constant 0 : i32
    %c0_i32_0 = arith.constant 0 : i32
    %c0_i32_1 = arith.constant 0 : i32
    return %c0_i32, %c0_i32_0 : i32, i32
  }
  func.func @transform_7(%arg0: i32) -> (i32, i32) {
    %c0_i32 = arith.constant 0 : i32
    %c0_i32_0 = arith.constant 0 : i32
    return %arg0, %c0_i32 : i32, i32
  }
}

</mosaic_0001>

<sc_bundles>
// kernel: kernel.4.cloned.1.call-start
scs
__scs_entry_jumppad:
0x0: {  	(pc) =	sbr.rel $0x88, $3  }
0x1: {  	(tag) =	ssettag $0x0;
	lr =	simm.s32 $0x1  }
0x2: {  	[smem:$0x3F96] =	sst lr;
	_ =	strace $0xD0000000  }
0x3: {  	_ = 	snop  }
0x4: {  	_ = 	snop  }
0x5: {  	_ = 	snop  }
0x6: {  	_ = 	snop  }
0x7: {  	_ = 	snop  }
__scs_overlays_trampoline_lowered:
0x8: {  	[smem:$0x3FA5] =	sst s0  }
0x9: {  	[smem:$0x3FA6] =	sst s1  }
0xa: {  	[smem:$0x3FA7] =	sst s2  }
0xb: {  	[smem:$0x3FA8] =	sst s3  }
0xc: {  	[smem:$0x3FA9] =	sst s4  }
0xd: {  	[smem:$0x3FAA] =	sst s5  }
0xe: {  	[smem:$0x3FAB] =	sst s6  }
0xf: {  	[smem:$0x3FAC] =	sst s7  }
0x10: {  	[smem:$0x3FAD] =	sst s8  }
0x11: {  	[smem:$0x3FAE] =	sst s9;
	s0 =	simm.s32 @!p0 $0x0  }
0x12: {  	s1 =	sld [smem:$0x3F94];
	s0 =	simm.s32 @p0 $0x1  }
0x13: {  	[smem:$0x3FAF] =	sst s0;
	s0 =	simm.s32 @!p1 $0x0  }
0x14: {  	s2 =	sld [smem:$0x3F93];
	s0 =	simm.s32 @p1 $0x1  }
0x15: {  	[smem:$0x3FB0] =	sst s0;
	s0 =	simm.s32 @!p2 $0x0  }
0x16: {  	s3 =	sld [smem:$0x3FDB];
	s0 =	simm.s32 @p2 $0x1  }
0x17: {  	s4 =	simm.s32 $0x1BF5;
	[smem:$0x3FB2] =	sst s0  }
0x18: {  	s0 =	sld [smem:$0x3F95];
	_ =	swait.ge [sflag:s4], $0x0  }
0x19: {  	s7 =	sld [smem:$0x3F96]  }
0x1a: {  	s8 =	sadd.s32 $0xFFFFE003, lr  }
0x1b: {  	s9 =	sadd.s32 $0xFFFFFEF7, lr;
	s5 =	simm.s32 $0xFFFFFFFF;
	p2 =	slt.u32 s8, $0xFFFFF086  }
0x1c: {  	p1 =	slt.u32 s9, $0xF7A;
	s5 =	simm.s32 @!p2 $0x0  }
0x1d: {  	s5 =	simm.s32 @p1 $0x1;
	p0 =	seq.s32 s7, s2  }
0x1e: {  	s7 =	smul.u32 @!p0 $0xF7A, s2;
	p2 =	seq.s32 @!p0 s5, $0x0  }
0x1f: {  	s9 =	smul.u32 $0xF7A, s1;
	s8 =	simm.s32 @!p0 $0x1BF5;
	p2 =	por !p2, p0  }
0x20: {  	[sflag:s8] =	ssyncset.s32 @!p0 $0xFFFFF086;
	s6 =	sadd.s32 @!p0 s3, s7;
	s7 =	simm.s32 @!p0 $0x108  }
0x21: {  	s3 =	sadd.s32 s3, s9;
	s6 =	sadd.s32 @!p0 $0x88, s6;
	s7 =	simm.s32 @p2 $0x1082  }
0x22: {  	[simem:s7], [sflag:s8] =	dma.local @!p0 [hbm:s6], $0xF7A  }
0x23: {  	s9 =	sor.u32 $0xD0000000, s2;
	s6 =	simm.s32 $0x108;
	_ =	swait.ge @!p0 [sflag:s8], $0x0  }
0x24: {  	s3 =	sadd.s32 $0x88, s3;
	s6 =	simm.s32 @!p1 $0x1082;
	[sflag:s4] =	ssyncset.s32 $0xFFFFF086  }
0x25: {  	[simem:s6], [sflag:s4] =	dma.local [hbm:s3], $0xF7A  }
0x26: {  	[smem:$0x3F96] =	sst s1;
	(tag) =	ssettag s2;
	_ =	strace s9  }
0x27: {  	s1 =	sld [smem:$0x3FA6]  }
0x28: {  	s2 =	sld [smem:$0x3FA7]  }
0x29: {  	s4 =	sld [smem:$0x3FA9]  }
0x2a: {  	p0 =	seq.s32 s5, $0x0;
	s5 =	sld [smem:$0x3FAA]  }
0x2b: {  	s6 =	sld [smem:$0x3FAB]  }
0x2c: {  	s7 =	sld [smem:$0x3FAC]  }
0x2d: {  	s3 =	simm.s32 $0x108;
	s8 =	sld [smem:$0x3FAD]  }
0x2e: {  	s3 =	simm.s32 @!p0 $0x1082;
	s9 =	sld [smem:$0x3FAE]  }
0x2f: {  	lr =	sadd.s32 s0, s3;
	s0 =	sld [smem:$0x3FA5]  }
0x30: {  	s3 =	sld [smem:$0x3FA8]  }
0x31: {  	[smem:$0x3FB1] =	sst s10  }
0x32: {  	s10 =	sld [smem:$0x3FAF];
	_ =	sdelay $0x3  }
0x33: {  	p0 =	seq.s32 s10, $0x1;
	s10 =	sld [smem:$0x3FB1];
	_ =	sdelay $0x3  }
0x34: {  	[smem:$0x3FB1] =	sst s10  }
0x35: {  	s10 =	sld [smem:$0x3FB0];
	_ =	sdelay $0x3  }
0x36: {  	p1 =	seq.s32 s10, $0x1;
	s10 =	sld [smem:$0x3FB1];
	_ =	sdelay $0x3  }
0x37: {  	[smem:$0x3FB1] =	sst s10  }
0x38: {  	s10 =	sld [smem:$0x3FB2]  }
0x39: {  	_ = 	snop;
	(pc) =	sbr.ind lr, $3  }
0x3a: {  	_ = 	snop  }
0x3b: {  	_ = 	snop  }
0x3c: {  	p2 =	seq.s32 s10, $0x1;
	s10 =	sld [smem:$0x3FB1]  }
0x3d: {  	_ =	shalt  }
0x3e: {  	_ =	shalt  }
0x3f: {  	_ =	shalt  }
0x40: {  	_ =	shalt  }
0x41: {  	_ =	shalt  }
0x42: {  	_ =	shalt  }
0x43: {  	_ =	shalt  }
0x44: {  	_ =	shalt  }
0x45: {  	_ =	shalt  }
0x46: {  	_ =	shalt  }
0x47: {  	_ =	shalt  }
0x48: {  	_ =	shalt  }
0x49: {  	_ =	shalt  }
0x4a: {  	_ =	shalt  }
0x4b: {  	_ =	shalt  }
0x4c: {  	_ =	shalt  }
0x4d: {  	_ =	shalt  }
0x4e: {  	_ =	shalt  }
0x4f: {  	_ =	shalt  }
0x50: {  	_ =	shalt  }
0x51: {  	_ =	shalt  }
0x52: {  	_ =	shalt  }
0x53: {  	_ =	shalt  }
0x54: {  	_ =	shalt  }
0x55: {  	_ =	shalt  }
0x56: {  	_ =	shalt  }
0x57: {  	_ =	shalt  }
0x58: {  	_ =	shalt  }
0x59: {  	_ =	shalt  }
0x5a: {  	_ =	shalt  }
0x5b: {  	_ =	shalt  }
0x5c: {  	_ =	shalt  }
0x5d: {  	_ =	shalt  }
0x5e: {  	_ =	shalt  }
0x5f: {  	_ =	shalt  }
0x60: {  	_ =	shalt  }
0x61: {  	_ =	shalt  }
0x62: {  	_ =	shalt  }
0x63: {  	_ =	shalt  }
0x64: {  	_ =	shalt  }
0x65: {  	_ =	shalt  }
0x66: {  	_ =	shalt  }
0x67: {  	_ =	shalt  }
0x68: {  	_ =	shalt  }
0x69: {  	_ =	shalt  }
0x6a: {  	_ =	shalt  }
0x6b: {  	_ =	shalt  }
0x6c: {  	_ =	shalt  }
0x6d: {  	_ =	shalt  }
0x6e: {  	_ =	shalt  }
0x6f: {  	_ =	shalt  }
0x70: {  	_ =	shalt  }
0x71: {  	_ =	shalt  }
0x72: {  	_ =	shalt  }
0x73: {  	_ =	shalt  }
0x74: {  	_ =	shalt  }
0x75: {  	_ =	shalt  }
0x76: {  	_ =	shalt  }
0x77: {  	_ =	shalt  }
0x78: {  	_ =	shalt  }
0x79: {  	_ =	shalt  }
0x7a: {  	_ =	shalt  }
0x7b: {  	_ =	shalt  }
0x7c: {  	_ =	shalt  }
0x7d: {  	_ =	shalt  }
0x7e: {  	_ =	shalt  }
0x7f: {  	_ =	shalt  }
0x80: {  	_ =	shalt  }
0x81: {  	_ =	shalt  }
0x82: {  	_ =	shalt  }
0x83: {  	_ =	shalt  }
0x84: {  	_ =	shalt  }
0x85: {  	_ =	shalt  }
0x86: {  	_ =	shalt  }
0x87: {  	_ =	shalt  }
.Lfunc_end0:
.L_simem_size_0:
called_computation_lowered:
.L_overlay_start_0:
0x88: {  	s2 =	sld [smem:$0x3FD9]  }
0x89: {  	s3 =	sld [smem:$0x3FFE];
	_ =	sdelay $0x1  }
0x8a: {  	s1 =	srdreg.scid  }
0x8b: {  	s0 =	sand.u32 $0x1, s1  }
0x8c: {  	s17 =	sshll.u32 s0, $0xA;
	s2 =	sadd.s32 s3, s2  }
0x8d: {  	s2 =	sadd.s32 s2, s17  }
0x8e: {  	[smem:$0x3FBD] =	sst s2  }
0x8f: {  	_ = 	snop  }
0x90: {  	s2 =	sld [smem:$0x3FC7];
	(tm) =	ssettm $0x1  }
0x91: {  	s18 =	sld [smem:$0x3FFB];
	_ =	sdelay $0x3  }
0x92: {  	_ =	strace s18  }
0x93: {  	s3 =	sld [smem:$0x3FFC];
	_ =	sdelay $0x3  }
0x94: {  	_ =	strace s3  }
0x95: {  	s3 =	sld [smem:$0x3FFD];
	_ =	sdelay $0x3  }
0x96: {  	_ =	strace s3  }
0x97: {  	_ =	strace $0x8FFFFFFF  }
0x98: {  	s19 =	sld [smem:$0x3FDB];
	_ =	sdelay $0x1  }
0x99: {  	s4 =	simm.s32 $_scs_section_size  }
0x9a: {  	s5 =	simm.s32 $_size__tile_overlayer_lowered;
	s6 =	simm.s32 $_tile_overlayer_lowered  }
0x9b: {  	s22 =	simm.s32 $0x1BFF;
	s21 =	sshll.u32 s6, $0x1;
	s3 =	sadd.s32 s4, s19  }
0x9c: {  	s7 =	simm.s32 $0x0;
	s20 =	sshll.u32 s5, $0x1;
	s5 =	sadd.s32 s21, s3  }
0x9d: {  	[timem:s7], [sflag:s22] =	dma.local [hbm:s5], s20  }
0x9e: {  	_ =	swait.ge [sflag:s22], s20  }
0x9f: {  	s4 =	ssub.s32 $0x0, s20;
	[sflag:s22] =	ssyncset.done $0x0  }
0xa0: {  	[sflag:s22] =	ssyncadd.s32 s4;
	_ =	sdelay $0x1  }
0xa1: {  	s23 =	simm.s32 $0x1B8B  }
0xa2: {  	_ =	swait.ge [sflag:s23], $0x1  }
0xa3: {  	[sflag:s23] =	ssyncset.done $0x0  }
0xa4: {  	s25 =	simm.s32 $0x1B8E;
	s24 =	sld [smem:$0x3FFE];
	[sflag:s23] =	ssyncadd.s32 $0xFFFFFFFF  }
0xa5: {  	s26 =	simm.s32 $execute0_lowered;
	[smem:$0x3FD2] =	sst s25  }
0xa6: {  	s5 =	sshll.u32 s26, $0x1;
	_ =	strace $0x80000046;
	[dreg:$0x1] =	wrdreg $0xFFFFFFFF  }
0xa7: {  	s28 =	simm.s32 $_size_execute0_lowered;
	s3 =	sadd.s32 s3, s5;
	[dreg:$0x0] =	wrdreg $0x0  }
0xa8: {  	s5 =	sshll.u32 s28, $0x1;
	[dreg:$0x2] =	wrdreg s3  }
0xa9: {  	[dreg:$0x3] =	wrdreg s5  }
0xaa: {  	[dreg:$0x4] =	wrdreg $0xC0  }
0xab: {  	_ =	task [dreg:s7], $0x5FFFF  }
0xac: {  	[dreg:$0x1] =	wrdreg $0xFFFFFFFF  }
0xad: {  	[dreg:$0x0] =	wrdreg $0x60  }
0xae: {  	[dreg:$0x2] =	wrdreg s24  }
0xaf: {  	[dreg:$0x3] =	wrdreg s2  }
0xb0: {  	[dreg:$0x4] =	wrdreg $0x85000  }
0xb1: {  	[dreg:$0x5] =	wrdreg $0x9  }
0xb2: {  	_ =	task.clear_ibuf [dreg:s7], $0x6FFFF;
	_ =	strace $0x90000046  }
0xb3: {  	s29 =	simm.s32 $0x9;
	_ =	strace $0x80000048  }
0xb4: {  	_ =	swait.ge [sflag:s29], $0x1  }
0xb5: {  	[sflag:s29] =	ssyncadd.s32 $0xFFFFFFFF  }
0xb6: {  	_ =	strace $0x90000048  }
0xb7: {  	_ =	sfence  }
0xb8: {  	s30 =	sld [smem:$0x0];
	_ =	sdelay $0x2  }
0xb9: {  	s31 =	sshll.u32 s1, $0xD;
	s1 =	sshrl.u32 s1, $0x2  }
0xba: {  	s3 =	sand.u32 $0x4000, s31;
	s1 =	sadd.s32 s1, s30  }
0xbb: {  	s0 =	sor.u32 s3, s0;
	s1 =	sshll.u32 s1, $0x11  }
0xbc: {  	s0 =	sor.u32 s1, s0  }
0xbd: {  	s0 =	sadd.s32 $0x8F2B, s0  }
0xbe: {  	[sflag:s0] =	ssyncadd.remote.s32 $0x1  }
0xbf: {  	_ =	sfence.sel $0xFFFF  }
0xc0: {  	[dreg:$0x0] =	wrdreg $0xFFFFFFFF;
	(pc) =	sbr.abs _section_cstart, $3  }
0xc1: {  	[dreg:$0x1] =	wrdreg $0xFFFFFFFF  }
0xc2: {  	_ =	task.clear_ibuf [dreg:s7], $0x2FFFF;
	_ =	strace $0x9FFFFFFF  }
0xc3: {  	(tm) =	ssettm $0x7FFFFFFF  }
tec
execute0_lowered:
.L_overlay_start_1:
0x0: {  	(tag) =	ssettag $0x1  }
0x1: {  	s4 =	rddreg [dreg:$0x0]  }
0x2: {  	s6 =	rddreg [dreg:$0x1]  }
0x3: {  	s1 =	rddreg [dreg:$0x2]  }
0x4: {  	s0 =	rddreg [dreg:$0x3];
	s3 =	simm.s32 $0x0  }
0x5: {  	s5 =	srdreg.scid;
	s2 =	stileid.u32;
	s13 =	simm.s32 $0x100  }
0x6: {  	s14 =	simm.s32 $0x80;
	s15 =	simm.s32 $0x4100;
	s16 =	simm.s32 $0x8100  }
0x7: {  	[smem:$0x7FF] =	sst s3;
	s10 =	sand.u32 $0x1, s5;
	s26 =	sshll.u32 s2, $0xC  }
0x8: {  	s7 =	sshll.u32 s2, $0x7;
	s30 =	sshll.u32 s2, $0x5;
	s31 =	sshll.u32 s2, $0x6  }
0x9: {  	_ =	strace $0x80000047;
	s8 =	ssub.s32 $0x2, s10;
	s9 =	sadd.s32 s26, s4  }
.Ltmp0:
0xa: {  	s11 =	sadd.s32 s7, s4;
	s29 =	sshrl.u32 s26, $0x2;
	(pc) =	sbr.rel .LBB2_1-.Ltmp0, $4  }
0xb: {  	s6 =	sadd.s32 s6, s30;
	p0 =	seq.s32 s10, $0x0;
	s10 =	sor.u32 $0x1C01, s31  }
0xc: {  	s28 =	sshrl.u32 s8, $0x1;
	s4 =	sadd.s32 s29, s1;
	s5 =	sadd.s32 $0x10A00, s11  }
0xd: {  	s7 =	sadd.s32 $0xA00, s9;
	s12 =	ssub.s32 s8, s28;
	s8 =	sadd.s32 $0x11200, s11  }
0xe: {  	v0 =	vimm.s32 $0x6;
	s11 =	sshrl.u32 s4, $0x3;
	s9 =	smax.u32 s12, $0x1;
	s12 =	simm.s32 $0x1  }
.LBB2_3:
0xf: {  	[spmem:s11], [sflag:s10] =	dma.local [hbm:s5], $0x80  }
0x10: {  	_ =	swait.ge [sflag:s12], $0x80  }
0x11: {  	[sflag:s12] =	ssyncset.done $0x0  }
0x12: {  	[sflag:s12] =	ssyncadd.s32 $0xFFFFFF80  }
0x13: {  	[bflag:$0x0] =	sbarrier.arrive $0xFFFF  }
0x14: {  	[tilespmem:s3], [sflag:$0x1] =	stream.linear.gather [hbm4b:s6+s3], $0x100, $0x38;
	[tilespmem:$0x8900] =	vst v63  }
0x15: {  	_ =	swait.ge [sflag:s12], $0x100  }
0x16: {  	[sflag:s12] =	ssyncset.done $0x0  }
0x17: {  	[sflag:s12] =	ssyncadd.s32 $0xFFFFFF00  }
0x18: {  	[tilespmem:s13], [sflag:$0x1] =	stream.linear.gather [hbm4b:s7+s3], $0x8000, $0x38;
	[tilespmem:$0x8900] =	vst v63  }
0x19: {  	_ =	swait.ge [sflag:s12], $0x8000  }
0x1a: {  	[sflag:s12] =	ssyncset.done $0x0  }
0x1b: {  	[sflag:s12] =	ssyncadd.s32 $0xFFFF8000  }
0x1c: {  	[spmem:s1] =	stream.indirect.scatter.add.f32 [tilespmem:s13], [sflag:$0x1], $0x80, s3, s14, $0xb8;
	[tilespmem:$0x8900] =	vst v63  }
0x1d: {  	_ =	swait.ge [sflag:s12], $0x4000  }
0x1e: {  	[sflag:s12] =	ssyncset.done $0x0  }
0x1f: {  	[sflag:s12] =	ssyncadd.s32 $0xFFFFC000  }
0x20: {  	[spmem:s1] =	stream.indirect.scatter.add.f32 [tilespmem:s15], [sflag:$0x1], $0x80, s14, s14, $0xb8;
	[tilespmem:$0x8900] =	vst v63  }
0x21: {  	_ =	swait.ge [sflag:s12], $0x4000  }
0x22: {  	[sflag:s12] =	ssyncset.done $0x0  }
0x23: {  	[sflag:s12] =	ssyncadd.s32 $0xFFFFC000  }
0x24: {  	[bflag:$0x0] =	sbarrier.arrive $0xFFFF  }
0x25: {  	[tilespmem:s16], [sflag:$0x1] =	stream.linear.gather [spmem:s4], $0x400, $0x38;
	[tilespmem:$0x8900] =	vst v63  }
0x26: {  	_ =	swait.ge [sflag:s12], $0x400  }
0x27: {  	[sflag:s12] =	ssyncset.done $0x0  }
0x28: {  	[sflag:s12] =	ssyncadd.s32 $0xFFFFFC00  }
0x29: {  	v1 =	vld [tilespmem:$0x8100]  }
0x2a: {  	v2 =	vld [tilespmem:$0x8180]  }
0x2b: {  	v3 =	vld [tilespmem:$0x8200]  }
0x2c: {  	v4 =	vld [tilespmem:$0x8280]  }
0x2d: {  	v5 =	vld [tilespmem:$0x8300]  }
0x2e: {  	v7 =	vld [tilespmem:$0x8380];
	v6 =	vperm.xlane v1, v0  }
0x2f: {  	v9 =	vld [tilespmem:$0x8400];
	v8 =	vperm.xlane v2, v0  }
0x30: {  	v11 =	vld [tilespmem:$0x8480];
	v10 =	vperm.xlane v3, v0;
	v6 =	vmax.f32 v6, $1.000000000e+00  }
0x31: {  	v48 =	vperm.xlane v4, v0;
	v47 =	vmax.f32 v8, $1.000000000e+00;
	(erf) = vrcp.f32 v6  }
0x32: {  	v50 =	vperm.xlane v5, v0;
	v49 =	vmax.f32 v10, $1.000000000e+00;
	(erf) = vrcp.f32 v47  }
0x33: {  	v52 =	vperm.xlane v7, v0;
	v51 =	vmax.f32 v48, $1.000000000e+00;
	(erf) = vrcp.f32 v49  }
0x34: {  	v54 =	vperm.xlane v9, v0;
	v53 =	vmax.f32 v50, $1.000000000e+00;
	(erf) = vrcp.f32 v51  }
0x35: {  	v56 =	vperm.xlane v11, v0;
	v55 =	vmax.f32 v52, $1.000000000e+00;
	(erf) = vrcp.f32 v53  }
0x36: {  	v57 =	vmax.f32 v54, $1.000000000e+00;
	(erf) = vrcp.f32 v55  }
0x37: {  	v58 =	vmax.f32 v56, $1.000000000e+00;
	(erf) = vrcp.f32 v57  }
0x38: {  	(erf) = vrcp.f32 v58;
	_ =	sdelay $0x1  }
0x39: {  	v59 =	vpop (erf)  }
0x3a: {  	v60 =	vpop (erf);
	v1 =	vmul.f32 v59, v1  }
0x3b: {  	v61 =	vpop (erf);
	v2 =	vmul.f32 v60, v2  }
0x3c: {  	v62 =	vpop (erf);
	[tilespmem:$0x8100] =	vst v1;
	v1 =	vmul.f32 v61, v3  }
0x3d: {  	v3 =	vpop (erf);
	[tilespmem:$0x8180] =	vst v2;
	v2 =	vmul.f32 v62, v4  }
0x3e: {  	v63 =	vpop (erf);
	[tilespmem:$0x8200] =	vst v1;
	v1 =	vmul.f32 v3, v5  }
0x3f: {  	v3 =	vpop (erf);
	[tilespmem:$0x8280] =	vst v2;
	v2 =	vmul.f32 v63, v7  }
0x40: {  	[tilespmem:$0x8300] =	vst v1;
	v1 =	vmul.f32 v3, v9;
	v3 =	vpop (erf)  }
0x41: {  	[tilespmem:$0x8380] =	vst v2;
	v2 =	vmul.f32 v3, v11  }
0x42: {  	[tilespmem:$0x8400] =	vst v1  }
0x43: {  	[tilespmem:$0x8480] =	vst v2  }
0x44: {  	[hbm4b:s8+s3] =	stream.linear.scatter [tilespmem:s16], [sflag:$0x1], $0x400, $0x38;
	[tilespmem:$0x8900] =	vst v63  }
0x45: {  	_ =	swait.ge [sflag:s12], $0x400  }
0x46: {  	[sflag:s12] =	ssyncset.done $0x0  }
0x47: {  	[sflag:s12] =	ssyncadd.s32 $0xFFFFFC00  }
.LBB2_4:
0x48: {  	s9 =	sadd.s32 $0xFFFFFFFF, s9  }
0x49: {  	p1 =	sne.s32 s9, $0x0  }
.Ltmp1:
0x4a: {  	_ = 	snop;
	(pc) =	sbr.rel @!p1 .LBB2_5-.Ltmp1, $1  }
0x4b: {  	_ =	sdelay $0x3  }
.LBB2_1:
.Ltmp2:
0x4c: {  	(pc) =	sbr.rel @p0 .LBB2_3-.Ltmp2, $1  }
0x4d: {  	_ =	sdelay $0x3  }
.Ltmp3:
0x4e: {  	(pc) =	sbr.rel .LBB2_4-.Ltmp3, $3  }
0x4f: {  	_ = 	snop  }
0x50: {  	[bflag:$0x0] =	sbarrier.arrive $0xFFFF  }
0x51: {  	[bflag:$0x0] =	sbarrier.arrive $0xFFFF;
	_ =	sdelay $0x1  }
.LBB2_5:
0x52: {  	_ =	sfence.sel $0x180000  }
0x53: {  	[bflag:$0x0] =	sbarrier.arrive $0xFFFF  }
0x54: {  	p0 =	sne.s32 s2, $0x0;
	_ =	strace $0x90000047  }
0x55: {  	s0 =	sadd.s32 @!p0 $0x100000, s0;
	[bflag:$0x2] =	sbarrier.arrive $0xFFFF  }
0x56: {  	[sflag:s0] =	ssyncadd.tile.s32 @!p0 $0x1;
	_ =	shalt  }
.Lfunc_end2:
_tile_overlayer_lowered:
.L_overlay_start_2:
0x57: {  	(tag) =	ssettag $0x2  }
0x58: {  	s0 =	rddreg [dreg:$0x0];
	s2 =	stileid.u32  }
0x59: {  	s1 =	rddreg [dreg:$0x1];
	p0 =	sne.s32 s2, $0x0  }
0x5a: {  	s3 =	rddreg [dreg:$0x2];
	[bflag:$0x3] =	sbarrier.arrive $0xFFFF;
	s2 =	simm.s32 @!p0 $0x1C01  }
0x5b: {  	[timem:s3], [sflag:s2] =	dma.local @!p0 [hbm:s0], s1  }
0x5c: {  	s0 =	simm.s32 @!p0 $0x1  }
0x5d: {  	_ =	swait.ge @!p0 [sflag:s0], s1  }
0x5e: {  	s1 =	ssub.s32 @!p0 $0x0, s1;
	[sflag:s0] =	ssyncset.done @!p0 $0x0  }
0x5f: {  	[sflag:s0] =	ssyncadd.s32 @!p0 s1  }
0x60: {  	[bflag:$0x3] =	sbarrier.arrive $0xFFFF  }
0x61: {  	_ =	shalt  }

</sc_bundles>
